<compile_context>
chip_gen: v7x
topology: tpu7x:2x2x1
jax: 0.10.2.dev20260603
libtpu: 0.0.44.dev20260713+nightly
codegen_flags: <defaults>
</compile_context>

<pallas_src>
import functools

import jax
import jax.numpy as jnp
from jax import lax
from jax.experimental import pallas as pl
from jax.experimental.pallas import tpu as pltpu
from jax.experimental.pallas import tpu_sc as plsc


def _make_sc_embed(b_sz: int, t_len: int, d: int):
    info = plsc.get_sparse_core_info()
    nc, ns, nl = info.num_cores, info.num_subcores, info.num_lanes
    nw = nc * ns
    assert t_len % nw == 0
    tpw = t_len // nw
    assert b_sz % 2 == 0
    npair = b_sz // 2
    assert 2 * tpw <= 128
    assert tpw % 8 == 0
    assert d % nl == 0
    nvec = d // nl
    mesh = plsc.VectorSubcoreMesh(core_axis_name="c", subcore_axis_name="s")

    @functools.partial(
        pl.kernel,
        mesh=mesh,
        out_type=jax.ShapeDtypeStruct((b_sz, t_len, d), jnp.float32),
        scratch_types=[
            pltpu.VMEM((npair, 2 * tpw), jnp.int32),
            pltpu.VMEM((npair, 2 * tpw, d), jnp.float32),
            pltpu.VMEM((tpw, d), jnp.float32),
            pltpu.SemaphoreType.DMA,
            pltpu.SemaphoreType.DMA,
            pltpu.SemaphoreType.DMA,
            pltpu.SemaphoreType.DMA,
        ],
    )
    def k(x_hbm, table_hbm, pos_hbm, out_hbm, idx_v, rows_v, pos_v,
          isem, gsem, ssem, psem):
        wid = lax.axis_index("s") * nc + lax.axis_index("c")
        t0 = wid * tpw
        idx_copies = [
            pltpu.async_copy(x_hbm.at[2 * j + h, pl.ds(t0, tpw)],
                             idx_v.at[j, pl.ds(h * tpw, tpw)], isem)
            for j in range(npair) for h in range(2)
        ]
        gathers = []
        for j in range(npair):
            idx_copies[2 * j].wait()
            idx_copies[2 * j + 1].wait()
            gathers.append(
                pltpu.async_copy(table_hbm.at[idx_v.at[j]], rows_v.at[j],
                                 gsem))
        pos_copy = pltpu.async_copy(pos_hbm.at[pl.ds(t0, tpw)], pos_v, psem)
        pos_copy.wait()

        stores = []
        for j in range(npair):
            gathers[j].wait()

            def add_row(r, _, j=j):
                for c in range(nvec):
                    sl = pl.ds(c * nl, nl)
                    v = pos_v[r, sl]
                    plsc.addupdate(rows_v.at[j, r, sl], v)
                    plsc.addupdate(rows_v.at[j, tpw + r, sl], v)
                return 0

            lax.fori_loop(0, tpw, add_row, 0)
            for h in range(2):
                stores.append(pltpu.async_copy(
                    rows_v.at[j, pl.ds(h * tpw, tpw)],
                    out_hbm.at[2 * j + h, pl.ds(t0, tpw)], ssem))
        for st in stores:
            st.wait()

    return k


def kernel(x, embedding, positional_encoding):
    b, t = x.shape
    v, d = embedding.shape
    fn = _make_sc_embed(b, t, d)
    return fn(x.astype(jnp.int32), embedding, positional_encoding)

# --- scband reference (transcript-rebuilt; emitter-appended) ---
"""Pipeline reference for scband-transformer-58213986730083 (READ-ONLY COPY).

The authoritative reference and input builder live on the scoring server;
editing this copy changes nothing except your own understanding.
"""

import jax, jax.numpy as jnp
import numpy as np

VOCAB = 1000000
D_MODEL = 128
BLOCK = 2048
B, T = 4, 2048

def setup_inputs(seed: int = 0) -> dict:
    key = jax.random.key(seed)
    k1, k2, k3 = jax.random.split(key, 3)
    x = jax.random.randint(k1, (B, T), 0, VOCAB, dtype=jnp.int64) if jax.config.jax_enable_x64 else jax.random.randint(k1, (B, T), 0, VOCAB, dtype=jnp.int32)
    embedding = jax.random.normal(k2, (VOCAB, D_MODEL), dtype=jnp.float32) * 0.02
    positional_encoding = jax.random.normal(k3, (BLOCK, D_MODEL), dtype=jnp.float32) * 0.02
    return {"x": x, "embedding": embedding, "positional_encoding": positional_encoding}

def reference(x, embedding, positional_encoding):
    b, t = x.shape
    pos = jnp.arange(0, t, dtype=jnp.int32)
    tok_emb = jnp.take(embedding, x, axis=0)          # [B, T, D]
    pos_emb = jnp.take(positional_encoding, pos, axis=0)  # [T, D]
    out = tok_emb + pos_emb[None, :, :]
    # dropout p=0.0 -> identity
    return out

if __name__ == "__main__":
    import jax
    _d = setup_inputs()
    print(jax.jit(kernel)(*tuple(_d.values())))

</pallas_src>

<mosaic_0001>
#map = affine_map<(d0, d1) -> (0, 0)>
#map1 = affine_map<(d0, d1) -> (0, 0, 0)>
module attributes {stable_mosaic.version = 14 : i64} {
  func.func @k(%arg0: i32, %arg1: i32, %arg2: memref<4x2048xi32, #tpu.memory_space<hbm>>, %arg3: memref<1000000x128xf32, #tpu.memory_space<hbm>>, %arg4: memref<2048x128xf32, #tpu.memory_space<hbm>>, %arg5: memref<4x2048x128xf32, #tpu.memory_space<hbm>>, %arg6: memref<2x128xi32, #tpu.memory_space<vmem>>, %arg7: memref<2x128x128xf32, #tpu.memory_space<vmem>>, %arg8: memref<64x128xf32, #tpu.memory_space<vmem>>, %arg9: memref<!tpu.dma_semaphore, #tpu.memory_space<semaphore_mem>>, %arg10: memref<!tpu.dma_semaphore, #tpu.memory_space<semaphore_mem>>, %arg11: memref<!tpu.dma_semaphore, #tpu.memory_space<semaphore_mem>>, %arg12: memref<!tpu.dma_semaphore, #tpu.memory_space<semaphore_mem>>) attributes {dimension_semantics = [#tpu.dimension_semantics<core_parallel>, #tpu.dimension_semantics<subcore_parallel>], iteration_bounds = array<i64: 2, 16>, scalar_prefetch = 0 : i64, scratch_operands = 7 : i64, tpu.core_type = #tpu.core_type<sc_vector_subcore>, window_params = [{transform_indices = #map}, {transform_indices = #map}, {transform_indices = #map}, {transform_indices = #map1}]} {
    %mul3A = arith.constant 2 : i32
    %mul3A_0 = arith.muli %arg1, %mul3A : i32
    %add3A = arith.addi %mul3A_0, %arg0 : i32
    %mul3A_1 = arith.constant 64 : i32
    %mul3A_2 = arith.muli %add3A, %mul3A_1 : i32
    %dma_start3A = arith.constant 0 : i32
    %dma_start3A_3 = arith.constant 0 : i32
    %dma_start3A_4 = arith.constant 0 : i32
    %dma_start3A_5 = tpu.memref_slice %arg6[%dma_start3A_3, %dma_start3A_4] : memref<2x128xi32, #tpu.memory_space<vmem>> -> memref<1x64xi32, #tpu.memory_space<vmem>>
    %dma_start3A_6 = tpu.memref_squeeze %dma_start3A_5 : memref<1x64xi32, #tpu.memory_space<vmem>> -> memref<64xi32, #tpu.memory_space<vmem>>
    %dma_start3A_7 = tpu.memref_slice %arg2[%dma_start3A, %mul3A_2] : memref<4x2048xi32, #tpu.memory_space<hbm>> -> memref<1x64xi32, #tpu.memory_space<hbm>>
    %dma_start3A_8 = tpu.memref_squeeze %dma_start3A_7 : memref<1x64xi32, #tpu.memory_space<hbm>> -> memref<64xi32, #tpu.memory_space<hbm>>
    %dma_start3A_9 = arith.constant 0 : i32
    %dma_start3A_10 = tpu.memref_slice %arg6[%dma_start3A_3, %dma_start3A_9] : memref<2x128xi32, #tpu.memory_space<vmem>> -> memref<1x64xi32, #tpu.memory_space<vmem>>
    %dma_start3A_11 = tpu.memref_squeeze %dma_start3A_10 : memref<1x64xi32, #tpu.memory_space<vmem>> -> memref<64xi32, #tpu.memory_space<vmem>>
    %dma_start3A_12 = tpu.memref_slice %arg2[%dma_start3A, %mul3A_2] : memref<4x2048xi32, #tpu.memory_space<hbm>> -> memref<1x64xi32, #tpu.memory_space<hbm>>
    %dma_start3A_13 = tpu.memref_squeeze %dma_start3A_12 : memref<1x64xi32, #tpu.memory_space<hbm>> -> memref<64xi32, #tpu.memory_space<hbm>>
    tpu.enqueue_dma source(%dma_start3A_13 : memref<64xi32, #tpu.memory_space<hbm>>) target(%dma_start3A_11 : memref<64xi32, #tpu.memory_space<vmem>>) target_semaphore(%arg9 : memref<!tpu.dma_semaphore, #tpu.memory_space<semaphore_mem>>)
    %dma_start3A_14 = arith.constant 1 : i32
    %dma_start3A_15 = arith.constant 0 : i32
    %dma_start3A_16 = arith.constant 64 : i32
    %dma_start3A_17 = tpu.memref_slice %arg6[%dma_start3A_15, %dma_start3A_16] : memref<2x128xi32, #tpu.memory_space<vmem>> -> memref<1x64xi32, #tpu.memory_space<vmem>>
    %dma_start3A_18 = tpu.memref_squeeze %dma_start3A_17 : memref<1x64xi32, #tpu.memory_space<vmem>> -> memref<64xi32, #tpu.memory_space<vmem>>
    %dma_start3A_19 = tpu.memref_slice %arg2[%dma_start3A_14, %mul3A_2] : memref<4x2048xi32, #tpu.memory_space<hbm>> -> memref<1x64xi32, #tpu.memory_space<hbm>>
    %dma_start3A_20 = tpu.memref_squeeze %dma_start3A_19 : memref<1x64xi32, #tpu.memory_space<hbm>> -> memref<64xi32, #tpu.memory_space<hbm>>
    %dma_start3A_21 = arith.constant 64 : i32
    %dma_start3A_22 = tpu.memref_slice %arg6[%dma_start3A_15, %dma_start3A_21] : memref<2x128xi32, #tpu.memory_space<vmem>> -> memref<1x64xi32, #tpu.memory_space<vmem>>
    %dma_start3A_23 = tpu.memref_squeeze %dma_start3A_22 : memref<1x64xi32, #tpu.memory_space<vmem>> -> memref<64xi32, #tpu.memory_space<vmem>>
    %dma_start3A_24 = tpu.memref_slice %arg2[%dma_start3A_14, %mul3A_2] : memref<4x2048xi32, #tpu.memory_space<hbm>> -> memref<1x64xi32, #tpu.memory_space<hbm>>
    %dma_start3A_25 = tpu.memref_squeeze %dma_start3A_24 : memref<1x64xi32, #tpu.memory_space<hbm>> -> memref<64xi32, #tpu.memory_space<hbm>>
    tpu.enqueue_dma source(%dma_start3A_25 : memref<64xi32, #tpu.memory_space<hbm>>) target(%dma_start3A_23 : memref<64xi32, #tpu.memory_space<vmem>>) target_semaphore(%arg9 : memref<!tpu.dma_semaphore, #tpu.memory_space<semaphore_mem>>)
    %dma_start3A_26 = arith.constant 2 : i32
    %dma_start3A_27 = arith.constant 1 : i32
    %dma_start3A_28 = arith.constant 0 : i32
    %dma_start3A_29 = tpu.memref_slice %arg6[%dma_start3A_27, %dma_start3A_28] : memref<2x128xi32, #tpu.memory_space<vmem>> -> memref<1x64xi32, #tpu.memory_space<vmem>>
    %dma_start3A_30 = tpu.memref_squeeze %dma_start3A_29 : memref<1x64xi32, #tpu.memory_space<vmem>> -> memref<64xi32, #tpu.memory_space<vmem>>
    %dma_start3A_31 = tpu.memref_slice %arg2[%dma_start3A_26, %mul3A_2] : memref<4x2048xi32, #tpu.memory_space<hbm>> -> memref<1x64xi32, #tpu.memory_space<hbm>>
    %dma_start3A_32 = tpu.memref_squeeze %dma_start3A_31 : memref<1x64xi32, #tpu.memory_space<hbm>> -> memref<64xi32, #tpu.memory_space<hbm>>
    %dma_start3A_33 = arith.constant 0 : i32
    %dma_start3A_34 = tpu.memref_slice %arg6[%dma_start3A_27, %dma_start3A_33] : memref<2x128xi32, #tpu.memory_space<vmem>> -> memref<1x64xi32, #tpu.memory_space<vmem>>
    %dma_start3A_35 = tpu.memref_squeeze %dma_start3A_34 : memref<1x64xi32, #tpu.memory_space<vmem>> -> memref<64xi32, #tpu.memory_space<vmem>>
    %dma_start3A_36 = tpu.memref_slice %arg2[%dma_start3A_26, %mul3A_2] : memref<4x2048xi32, #tpu.memory_space<hbm>> -> memref<1x64xi32, #tpu.memory_space<hbm>>
    %dma_start3A_37 = tpu.memref_squeeze %dma_start3A_36 : memref<1x64xi32, #tpu.memory_space<hbm>> -> memref<64xi32, #tpu.memory_space<hbm>>
    tpu.enqueue_dma source(%dma_start3A_37 : memref<64xi32, #tpu.memory_space<hbm>>) target(%dma_start3A_35 : memref<64xi32, #tpu.memory_space<vmem>>) target_semaphore(%arg9 : memref<!tpu.dma_semaphore, #tpu.memory_space<semaphore_mem>>)
    %dma_start3A_38 = arith.constant 3 : i32
    %dma_start3A_39 = arith.constant 1 : i32
    %dma_start3A_40 = arith.constant 64 : i32
    %dma_start3A_41 = tpu.memref_slice %arg6[%dma_start3A_39, %dma_start3A_40] : memref<2x128xi32, #tpu.memory_space<vmem>> -> memref<1x64xi32, #tpu.memory_space<vmem>>
    %dma_start3A_42 = tpu.memref_squeeze %dma_start3A_41 : memref<1x64xi32, #tpu.memory_space<vmem>> -> memref<64xi32, #tpu.memory_space<vmem>>
    %dma_start3A_43 = tpu.memref_slice %arg2[%dma_start3A_38, %mul3A_2] : memref<4x2048xi32, #tpu.memory_space<hbm>> -> memref<1x64xi32, #tpu.memory_space<hbm>>
    %dma_start3A_44 = tpu.memref_squeeze %dma_start3A_43 : memref<1x64xi32, #tpu.memory_space<hbm>> -> memref<64xi32, #tpu.memory_space<hbm>>
    %dma_start3A_45 = arith.constant 64 : i32
    %dma_start3A_46 = tpu.memref_slice %arg6[%dma_start3A_39, %dma_start3A_45] : memref<2x128xi32, #tpu.memory_space<vmem>> -> memref<1x64xi32, #tpu.memory_space<vmem>>
    %dma_start3A_47 = tpu.memref_squeeze %dma_start3A_46 : memref<1x64xi32, #tpu.memory_space<vmem>> -> memref<64xi32, #tpu.memory_space<vmem>>
    %dma_start3A_48 = tpu.memref_slice %arg2[%dma_start3A_38, %mul3A_2] : memref<4x2048xi32, #tpu.memory_space<hbm>> -> memref<1x64xi32, #tpu.memory_space<hbm>>
    %dma_start3A_49 = tpu.memref_squeeze %dma_start3A_48 : memref<1x64xi32, #tpu.memory_space<hbm>> -> memref<64xi32, #tpu.memory_space<hbm>>
    tpu.enqueue_dma source(%dma_start3A_49 : memref<64xi32, #tpu.memory_space<hbm>>) target(%dma_start3A_47 : memref<64xi32, #tpu.memory_space<vmem>>) target_semaphore(%arg9 : memref<!tpu.dma_semaphore, #tpu.memory_space<semaphore_mem>>)
    %dma_wait3A = arith.constant 0 : i32
    %dma_wait3A_50 = arith.constant 0 : i32
    %dma_wait3A_51 = arith.constant 0 : i32
    %dma_wait3A_52 = tpu.memref_slice %arg6[%dma_wait3A_50, %dma_wait3A_51] : memref<2x128xi32, #tpu.memory_space<vmem>> -> memref<1x64xi32, #tpu.memory_space<vmem>>
    %dma_wait3A_53 = tpu.memref_squeeze %dma_wait3A_52 : memref<1x64xi32, #tpu.memory_space<vmem>> -> memref<64xi32, #tpu.memory_space<vmem>>
    %dma_wait3A_54 = tpu.memref_slice %arg2[%dma_wait3A, %mul3A_2] : memref<4x2048xi32, #tpu.memory_space<hbm>> -> memref<1x64xi32, #tpu.memory_space<hbm>>
    %dma_wait3A_55 = tpu.memref_squeeze %dma_wait3A_54 : memref<1x64xi32, #tpu.memory_space<hbm>> -> memref<64xi32, #tpu.memory_space<hbm>>
    %dma_wait3A_56 = arith.constant 0 : i32
    %dma_wait3A_57 = tpu.memref_slice %arg6[%dma_wait3A_50, %dma_wait3A_56] : memref<2x128xi32, #tpu.memory_space<vmem>> -> memref<1x64xi32, #tpu.memory_space<vmem>>
    %dma_wait3A_58 = tpu.memref_squeeze %dma_wait3A_57 : memref<1x64xi32, #tpu.memory_space<vmem>> -> memref<64xi32, #tpu.memory_space<vmem>>
    %dma_wait3A_59 = tpu.memref_slice %arg2[%dma_wait3A, %mul3A_2] : memref<4x2048xi32, #tpu.memory_space<hbm>> -> memref<1x64xi32, #tpu.memory_space<hbm>>
    %dma_wait3A_60 = tpu.memref_squeeze %dma_wait3A_59 : memref<1x64xi32, #tpu.memory_space<hbm>> -> memref<64xi32, #tpu.memory_space<hbm>>
    tpu.wait_dma2 semaphore(%arg9 : memref<!tpu.dma_semaphore, #tpu.memory_space<semaphore_mem>>) src(%dma_wait3A_60 : memref<64xi32, #tpu.memory_space<hbm>>) dst(%dma_wait3A_58 : memref<64xi32, #tpu.memory_space<vmem>>)
    %dma_wait3A_61 = arith.constant 1 : i32
    %dma_wait3A_62 = arith.constant 0 : i32
    %dma_wait3A_63 = arith.constant 64 : i32
    %dma_wait3A_64 = tpu.memref_slice %arg6[%dma_wait3A_62, %dma_wait3A_63] : memref<2x128xi32, #tpu.memory_space<vmem>> -> memref<1x64xi32, #tpu.memory_space<vmem>>
    %dma_wait3A_65 = tpu.memref_squeeze %dma_wait3A_64 : memref<1x64xi32, #tpu.memory_space<vmem>> -> memref<64xi32, #tpu.memory_space<vmem>>
    %dma_wait3A_66 = tpu.memref_slice %arg2[%dma_wait3A_61, %mul3A_2] : memref<4x2048xi32, #tpu.memory_space<hbm>> -> memref<1x64xi32, #tpu.memory_space<hbm>>
    %dma_wait3A_67 = tpu.memref_squeeze %dma_wait3A_66 : memref<1x64xi32, #tpu.memory_space<hbm>> -> memref<64xi32, #tpu.memory_space<hbm>>
    %dma_wait3A_68 = arith.constant 64 : i32
    %dma_wait3A_69 = tpu.memref_slice %arg6[%dma_wait3A_62, %dma_wait3A_68] : memref<2x128xi32, #tpu.memory_space<vmem>> -> memref<1x64xi32, #tpu.memory_space<vmem>>
    %dma_wait3A_70 = tpu.memref_squeeze %dma_wait3A_69 : memref<1x64xi32, #tpu.memory_space<vmem>> -> memref<64xi32, #tpu.memory_space<vmem>>
    %dma_wait3A_71 = tpu.memref_slice %arg2[%dma_wait3A_61, %mul3A_2] : memref<4x2048xi32, #tpu.memory_space<hbm>> -> memref<1x64xi32, #tpu.memory_space<hbm>>
    %dma_wait3A_72 = tpu.memref_squeeze %dma_wait3A_71 : memref<1x64xi32, #tpu.memory_space<hbm>> -> memref<64xi32, #tpu.memory_space<hbm>>
    tpu.wait_dma2 semaphore(%arg9 : memref<!tpu.dma_semaphore, #tpu.memory_space<semaphore_mem>>) src(%dma_wait3A_72 : memref<64xi32, #tpu.memory_space<hbm>>) dst(%dma_wait3A_70 : memref<64xi32, #tpu.memory_space<vmem>>)
    %dma_start3A_73 = arith.constant 0 : i32
    %dma_start3A_74 = arith.constant 0 : i32
    %dma_start3A_75 = arith.constant 0 : i32
    %dma_start3A_76 = arith.constant 0 : i32
    %dma_start3A_77 = tpu.memref_slice %arg7[%dma_start3A_74, %dma_start3A_75, %dma_start3A_76] : memref<2x128x128xf32, #tpu.memory_space<vmem>> -> memref<1x128x128xf32, #tpu.memory_space<vmem>>
    %dma_start3A_78 = tpu.memref_squeeze %dma_start3A_77 : memref<1x128x128xf32, #tpu.memory_space<vmem>> -> memref<128x128xf32, #tpu.memory_space<vmem>>
    %dma_start3A_79 = arith.constant 0 : i32
    %dma_start3A_80 = tpu.memref_slice %arg6[%dma_start3A_73, %dma_start3A_79] : memref<2x128xi32, #tpu.memory_space<vmem>> -> memref<1x128xi32, #tpu.memory_space<vmem>>
    %dma_start3A_81 = tpu.memref_squeeze %dma_start3A_80 : memref<1x128xi32, #tpu.memory_space<vmem>> -> memref<128xi32, #tpu.memory_space<vmem>>
    %dma_start3A_82 = arith.constant 0 : i32
    %dma_start3A_83 = arith.constant 0 : i32
    %dma_start3A_84 = tpu.memref_slice %arg3[%dma_start3A_82, %dma_start3A_83] : memref<1000000x128xf32, #tpu.memory_space<hbm>> -> memref<1000000x128xf32, #tpu.memory_space<hbm>>
    tpu.enqueue_indirect_dma source(%dma_start3A_84 : memref<1000000x128xf32, #tpu.memory_space<hbm>>) target(%dma_start3A_78 : memref<128x128xf32, #tpu.memory_space<vmem>>) offsets(%dma_start3A_81 : memref<128xi32, #tpu.memory_space<vmem>>) semaphore(%arg10 : memref<!tpu.dma_semaphore, #tpu.memory_space<semaphore_mem>>)
    %dma_wait3A_85 = arith.constant 2 : i32
    %dma_wait3A_86 = arith.constant 1 : i32
    %dma_wait3A_87 = arith.constant 0 : i32
    %dma_wait3A_88 = tpu.memref_slice %arg6[%dma_wait3A_86, %dma_wait3A_87] : memref<2x128xi32, #tpu.memory_space<vmem>> -> memref<1x64xi32, #tpu.memory_space<vmem>>
    %dma_wait3A_89 = tpu.memref_squeeze %dma_wait3A_88 : memref<1x64xi32, #tpu.memory_space<vmem>> -> memref<64xi32, #tpu.memory_space<vmem>>
    %dma_wait3A_90 = tpu.memref_slice %arg2[%dma_wait3A_85, %mul3A_2] : memref<4x2048xi32, #tpu.memory_space<hbm>> -> memref<1x64xi32, #tpu.memory_space<hbm>>
    %dma_wait3A_91 = tpu.memref_squeeze %dma_wait3A_90 : memref<1x64xi32, #tpu.memory_space<hbm>> -> memref<64xi32, #tpu.memory_space<hbm>>
    %dma_wait3A_92 = arith.constant 0 : i32
    %dma_wait3A_93 = tpu.memref_slice %arg6[%dma_wait3A_86, %dma_wait3A_92] : memref<2x128xi32, #tpu.memory_space<vmem>> -> memref<1x64xi32, #tpu.memory_space<vmem>>
    %dma_wait3A_94 = tpu.memref_squeeze %dma_wait3A_93 : memref<1x64xi32, #tpu.memory_space<vmem>> -> memref<64xi32, #tpu.memory_space<vmem>>
    %dma_wait3A_95 = tpu.memref_slice %arg2[%dma_wait3A_85, %mul3A_2] : memref<4x2048xi32, #tpu.memory_space<hbm>> -> memref<1x64xi32, #tpu.memory_space<hbm>>
    %dma_wait3A_96 = tpu.memref_squeeze %dma_wait3A_95 : memref<1x64xi32, #tpu.memory_space<hbm>> -> memref<64xi32, #tpu.memory_space<hbm>>
    tpu.wait_dma2 semaphore(%arg9 : memref<!tpu.dma_semaphore, #tpu.memory_space<semaphore_mem>>) src(%dma_wait3A_96 : memref<64xi32, #tpu.memory_space<hbm>>) dst(%dma_wait3A_94 : memref<64xi32, #tpu.memory_space<vmem>>)
    %dma_wait3A_97 = arith.constant 3 : i32
    %dma_wait3A_98 = arith.constant 1 : i32
    %dma_wait3A_99 = arith.constant 64 : i32
    %dma_wait3A_100 = tpu.memref_slice %arg6[%dma_wait3A_98, %dma_wait3A_99] : memref<2x128xi32, #tpu.memory_space<vmem>> -> memref<1x64xi32, #tpu.memory_space<vmem>>
    %dma_wait3A_101 = tpu.memref_squeeze %dma_wait3A_100 : memref<1x64xi32, #tpu.memory_space<vmem>> -> memref<64xi32, #tpu.memory_space<vmem>>
    %dma_wait3A_102 = tpu.memref_slice %arg2[%dma_wait3A_97, %mul3A_2] : memref<4x2048xi32, #tpu.memory_space<hbm>> -> memref<1x64xi32, #tpu.memory_space<hbm>>
    %dma_wait3A_103 = tpu.memref_squeeze %dma_wait3A_102 : memref<1x64xi32, #tpu.memory_space<hbm>> -> memref<64xi32, #tpu.memory_space<hbm>>
    %dma_wait3A_104 = arith.constant 64 : i32
    %dma_wait3A_105 = tpu.memref_slice %arg6[%dma_wait3A_98, %dma_wait3A_104] : memref<2x128xi32, #tpu.memory_space<vmem>> -> memref<1x64xi32, #tpu.memory_space<vmem>>
    %dma_wait3A_106 = tpu.memref_squeeze %dma_wait3A_105 : memref<1x64xi32, #tpu.memory_space<vmem>> -> memref<64xi32, #tpu.memory_space<vmem>>
    %dma_wait3A_107 = tpu.memref_slice %arg2[%dma_wait3A_97, %mul3A_2] : memref<4x2048xi32, #tpu.memory_space<hbm>> -> memref<1x64xi32, #tpu.memory_space<hbm>>
    %dma_wait3A_108 = tpu.memref_squeeze %dma_wait3A_107 : memref<1x64xi32, #tpu.memory_space<hbm>> -> memref<64xi32, #tpu.memory_space<hbm>>
    tpu.wait_dma2 semaphore(%arg9 : memref<!tpu.dma_semaphore, #tpu.memory_space<semaphore_mem>>) src(%dma_wait3A_108 : memref<64xi32, #tpu.memory_space<hbm>>) dst(%dma_wait3A_106 : memref<64xi32, #tpu.memory_space<vmem>>)
    %dma_start3A_109 = arith.constant 1 : i32
    %dma_start3A_110 = arith.constant 1 : i32
    %dma_start3A_111 = arith.constant 0 : i32
    %dma_start3A_112 = arith.constant 0 : i32
    %dma_start3A_113 = tpu.memref_slice %arg7[%dma_start3A_110, %dma_start3A_111, %dma_start3A_112] : memref<2x128x128xf32, #tpu.memory_space<vmem>> -> memref<1x128x128xf32, #tpu.memory_space<vmem>>
    %dma_start3A_114 = tpu.memref_squeeze %dma_start3A_113 : memref<1x128x128xf32, #tpu.memory_space<vmem>> -> memref<128x128xf32, #tpu.memory_space<vmem>>
    %dma_start3A_115 = arith.constant 0 : i32
    %dma_start3A_116 = tpu.memref_slice %arg6[%dma_start3A_109, %dma_start3A_115] : memref<2x128xi32, #tpu.memory_space<vmem>> -> memref<1x128xi32, #tpu.memory_space<vmem>>
    %dma_start3A_117 = tpu.memref_squeeze %dma_start3A_116 : memref<1x128xi32, #tpu.memory_space<vmem>> -> memref<128xi32, #tpu.memory_space<vmem>>
    %dma_start3A_118 = arith.constant 0 : i32
    %dma_start3A_119 = arith.constant 0 : i32
    %dma_start3A_120 = tpu.memref_slice %arg3[%dma_start3A_118, %dma_start3A_119] : memref<1000000x128xf32, #tpu.memory_space<hbm>> -> memref<1000000x128xf32, #tpu.memory_space<hbm>>
    tpu.enqueue_indirect_dma source(%dma_start3A_120 : memref<1000000x128xf32, #tpu.memory_space<hbm>>) target(%dma_start3A_114 : memref<128x128xf32, #tpu.memory_space<vmem>>) offsets(%dma_start3A_117 : memref<128xi32, #tpu.memory_space<vmem>>) semaphore(%arg10 : memref<!tpu.dma_semaphore, #tpu.memory_space<semaphore_mem>>)
    %dma_start3A_121 = arith.constant 0 : i32
    %dma_start3A_122 = tpu.memref_slice %arg4[%mul3A_2, %dma_start3A_121] : memref<2048x128xf32, #tpu.memory_space<hbm>> -> memref<64x128xf32, #tpu.memory_space<hbm>>
    %dma_start3A_123 = arith.constant 0 : i32
    %dma_start3A_124 = tpu.memref_slice %arg4[%mul3A_2, %dma_start3A_123] : memref<2048x128xf32, #tpu.memory_space<hbm>> -> memref<64x128xf32, #tpu.memory_space<hbm>>
    tpu.enqueue_dma source(%dma_start3A_124 : memref<64x128xf32, #tpu.memory_space<hbm>>) target(%arg8 : memref<64x128xf32, #tpu.memory_space<vmem>>) target_semaphore(%arg12 : memref<!tpu.dma_semaphore, #tpu.memory_space<semaphore_mem>>)
    %dma_wait3A_125 = arith.constant 0 : i32
    %dma_wait3A_126 = tpu.memref_slice %arg4[%mul3A_2, %dma_wait3A_125] : memref<2048x128xf32, #tpu.memory_space<hbm>> -> memref<64x128xf32, #tpu.memory_space<hbm>>
    %dma_wait3A_127 = arith.constant 0 : i32
    %dma_wait3A_128 = tpu.memref_slice %arg4[%mul3A_2, %dma_wait3A_127] : memref<2048x128xf32, #tpu.memory_space<hbm>> -> memref<64x128xf32, #tpu.memory_space<hbm>>
    tpu.wait_dma2 semaphore(%arg12 : memref<!tpu.dma_semaphore, #tpu.memory_space<semaphore_mem>>) src(%dma_wait3A_128 : memref<64x128xf32, #tpu.memory_space<hbm>>) dst(%arg8 : memref<64x128xf32, #tpu.memory_space<vmem>>)
    %dma_wait3A_129 = arith.constant 0 : i32
    %dma_wait3A_130 = arith.constant 0 : i32
    %dma_wait3A_131 = arith.constant 0 : i32
    %dma_wait3A_132 = arith.constant 0 : i32
    %dma_wait3A_133 = tpu.memref_slice %arg7[%dma_wait3A_130, %dma_wait3A_131, %dma_wait3A_132] : memref<2x128x128xf32, #tpu.memory_space<vmem>> -> memref<1x128x128xf32, #tpu.memory_space<vmem>>
    %dma_wait3A_134 = tpu.memref_squeeze %dma_wait3A_133 : memref<1x128x128xf32, #tpu.memory_space<vmem>> -> memref<128x128xf32, #tpu.memory_space<vmem>>
    %dma_wait3A_135 = arith.constant 0 : i32
    %dma_wait3A_136 = tpu.memref_slice %arg6[%dma_wait3A_129, %dma_wait3A_135] : memref<2x128xi32, #tpu.memory_space<vmem>> -> memref<1x128xi32, #tpu.memory_space<vmem>>
    %dma_wait3A_137 = tpu.memref_squeeze %dma_wait3A_136 : memref<1x128xi32, #tpu.memory_space<vmem>> -> memref<128xi32, #tpu.memory_space<vmem>>
    %dma_wait3A_138 = arith.constant 0 : i32
    %dma_wait3A_139 = arith.constant 0 : i32
    %dma_wait3A_140 = tpu.memref_slice %arg3[%dma_wait3A_138, %dma_wait3A_139] : memref<1000000x128xf32, #tpu.memory_space<hbm>> -> memref<1000000x128xf32, #tpu.memory_space<hbm>>
    tpu.wait_indirect_dma semaphore(%arg10 : memref<!tpu.dma_semaphore, #tpu.memory_space<semaphore_mem>>) src(%dma_wait3A_140 : memref<1000000x128xf32, #tpu.memory_space<hbm>>) dst(%dma_wait3A_134 : memref<128x128xf32, #tpu.memory_space<vmem>>)
    %scan3A = arith.constant 0 : i32
    %scan3A_141 = arith.constant 0 : i32
    %scan3A_142 = arith.constant 64 : i32
    %scan3A_143 = arith.addi %scan3A_141, %scan3A_142 : i32
    %scan3A_144 = arith.constant 1 : i32
    %scan3A_145 = scf.for %scan3A_294 = %scan3A_141 to %scan3A_143 step %scan3A_144 iter_args(%scan3A_295 = %scan3A) -> (i32)  : i32 {
      %get3A = arith.index_cast %scan3A_294 : i32 to index
      %get3A_296 = arith.constant 0 : index
      %get3A_297 = tpu.vector_load %arg8[%get3A, %get3A_296] {strides = array<i32>} : memref<64x128xf32, #tpu.memory_space<vmem>>, vector<1x16xf32>,
      %get3A_298 = vector.shape_cast %get3A_297 : vector<1x16xf32> to vector<16xf32>
      %swap3A = arith.constant 0 : i32
      %swap3A_299 = arith.index_cast %swap3A : i32 to index
      %swap3A_300 = arith.index_cast %scan3A_294 : i32 to index
      %swap3A_301 = arith.constant 0 : index
      %swap3A_302 = tpu.vector_load %arg7[%swap3A_299, %swap3A_300, %swap3A_301] {strides = array<i32>} : memref<2x128x128xf32, #tpu.memory_space<vmem>>, vector<1x1x16xf32>,
      %swap3A_303 = vector.shape_cast %swap3A_302 : vector<1x1x16xf32> to vector<16xf32>
      %swap3A_304 = vector.shape_cast %get3A_298 : vector<16xf32> to vector<1x1x16xf32>
      tpu.vector_store %arg7[%swap3A_299, %swap3A_300, %swap3A_301], %swap3A_304 {add = true, strides = array<i32>} : memref<2x128x128xf32, #tpu.memory_space<vmem>>, vector<1x1x16xf32>,
      %add3A_305 = arith.constant 64 : i32
      %add3A_306 = arith.addi %add3A_305, %scan3A_294 : i32
      %swap3A_307 = arith.constant 0 : i32
      %swap3A_308 = arith.index_cast %swap3A_307 : i32 to index
      %swap3A_309 = arith.index_cast %add3A_306 : i32 to index
      %swap3A_310 = arith.constant 0 : index
      %swap3A_311 = tpu.vector_load %arg7[%swap3A_308, %swap3A_309, %swap3A_310] {strides = array<i32>} : memref<2x128x128xf32, #tpu.memory_space<vmem>>, vector<1x1x16xf32>,
      %swap3A_312 = vector.shape_cast %swap3A_311 : vector<1x1x16xf32> to vector<16xf32>
      %swap3A_313 = vector.shape_cast %get3A_298 : vector<16xf32> to vector<1x1x16xf32>
      tpu.vector_store %arg7[%swap3A_308, %swap3A_309, %swap3A_310], %swap3A_313 {add = true, strides = array<i32>} : memref<2x128x128xf32, #tpu.memory_space<vmem>>, vector<1x1x16xf32>,
      %get3A_314 = arith.index_cast %scan3A_294 : i32 to index
      %get3A_315 = arith.constant 16 : index
      %get3A_316 = tpu.vector_load %arg8[%get3A_314, %get3A_315] {strides = array<i32>} : memref<64x128xf32, #tpu.memory_space<vmem>>, vector<1x16xf32>,
      %get3A_317 = vector.shape_cast %get3A_316 : vector<1x16xf32> to vector<16xf32>
      %swap3A_318 = arith.constant 0 : i32
      %swap3A_319 = arith.index_cast %swap3A_318 : i32 to index
      %swap3A_320 = arith.index_cast %scan3A_294 : i32 to index
      %swap3A_321 = arith.constant 16 : index
      %swap3A_322 = tpu.vector_load %arg7[%swap3A_319, %swap3A_320, %swap3A_321] {strides = array<i32>} : memref<2x128x128xf32, #tpu.memory_space<vmem>>, vector<1x1x16xf32>,
      %swap3A_323 = vector.shape_cast %swap3A_322 : vector<1x1x16xf32> to vector<16xf32>
      %swap3A_324 = vector.shape_cast %get3A_317 : vector<16xf32> to vector<1x1x16xf32>
      tpu.vector_store %arg7[%swap3A_319, %swap3A_320, %swap3A_321], %swap3A_324 {add = true, strides = array<i32>} : memref<2x128x128xf32, #tpu.memory_space<vmem>>, vector<1x1x16xf32>,
      %add3A_325 = arith.constant 64 : i32
      %add3A_326 = arith.addi %add3A_325, %scan3A_294 : i32
      %swap3A_327 = arith.constant 0 : i32
      %swap3A_328 = arith.index_cast %swap3A_327 : i32 to index
      %swap3A_329 = arith.index_cast %add3A_326 : i32 to index
      %swap3A_330 = arith.constant 16 : index
      %swap3A_331 = tpu.vector_load %arg7[%swap3A_328, %swap3A_329, %swap3A_330] {strides = array<i32>} : memref<2x128x128xf32, #tpu.memory_space<vmem>>, vector<1x1x16xf32>,
      %swap3A_332 = vector.shape_cast %swap3A_331 : vector<1x1x16xf32> to vector<16xf32>
      %swap3A_333 = vector.shape_cast %get3A_317 : vector<16xf32> to vector<1x1x16xf32>
      tpu.vector_store %arg7[%swap3A_328, %swap3A_329, %swap3A_330], %swap3A_333 {add = true, strides = array<i32>} : memref<2x128x128xf32, #tpu.memory_space<vmem>>, vector<1x1x16xf32>,
      %get3A_334 = arith.index_cast %scan3A_294 : i32 to index
      %get3A_335 = arith.constant 32 : index
      %get3A_336 = tpu.vector_load %arg8[%get3A_334, %get3A_335] {strides = array<i32>} : memref<64x128xf32, #tpu.memory_space<vmem>>, vector<1x16xf32>,
      %get3A_337 = vector.shape_cast %get3A_336 : vector<1x16xf32> to vector<16xf32>
      %swap3A_338 = arith.constant 0 : i32
      %swap3A_339 = arith.index_cast %swap3A_338 : i32 to index
      %swap3A_340 = arith.index_cast %scan3A_294 : i32 to index
      %swap3A_341 = arith.constant 32 : index
      %swap3A_342 = tpu.vector_load %arg7[%swap3A_339, %swap3A_340, %swap3A_341] {strides = array<i32>} : memref<2x128x128xf32, #tpu.memory_space<vmem>>, vector<1x1x16xf32>,
      %swap3A_343 = vector.shape_cast %swap3A_342 : vector<1x1x16xf32> to vector<16xf32>
      %swap3A_344 = vector.shape_cast %get3A_337 : vector<16xf32> to vector<1x1x16xf32>
      tpu.vector_store %arg7[%swap3A_339, %swap3A_340, %swap3A_341], %swap3A_344 {add = true, strides = array<i32>} : memref<2x128x128xf32, #tpu.memory_space<vmem>>, vector<1x1x16xf32>,
      %add3A_345 = arith.constant 64 : i32
      %add3A_346 = arith.addi %add3A_345, %scan3A_294 : i32
      %swap3A_347 = arith.constant 0 : i32
      %swap3A_348 = arith.index_cast %swap3A_347 : i32 to index
      %swap3A_349 = arith.index_cast %add3A_346 : i32 to index
      %swap3A_350 = arith.constant 32 : index
      %swap3A_351 = tpu.vector_load %arg7[%swap3A_348, %swap3A_349, %swap3A_350] {strides = array<i32>} : memref<2x128x128xf32, #tpu.memory_space<vmem>>, vector<1x1x16xf32>,
      %swap3A_352 = vector.shape_cast %swap3A_351 : vector<1x1x16xf32> to vector<16xf32>
      %swap3A_353 = vector.shape_cast %get3A_337 : vector<16xf32> to vector<1x1x16xf32>
      tpu.vector_store %arg7[%swap3A_348, %swap3A_349, %swap3A_350], %swap3A_353 {add = true, strides = array<i32>} : memref<2x128x128xf32, #tpu.memory_space<vmem>>, vector<1x1x16xf32>,
      %get3A_354 = arith.index_cast %scan3A_294 : i32 to index
      %get3A_355 = arith.constant 48 : index
      %get3A_356 = tpu.vector_load %arg8[%get3A_354, %get3A_355] {strides = array<i32>} : memref<64x128xf32, #tpu.memory_space<vmem>>, vector<1x16xf32>,
      %get3A_357 = vector.shape_cast %get3A_356 : vector<1x16xf32> to vector<16xf32>
      %swap3A_358 = arith.constant 0 : i32
      %swap3A_359 = arith.index_cast %swap3A_358 : i32 to index
      %swap3A_360 = arith.index_cast %scan3A_294 : i32 to index
      %swap3A_361 = arith.constant 48 : index
      %swap3A_362 = tpu.vector_load %arg7[%swap3A_359, %swap3A_360, %swap3A_361] {strides = array<i32>} : memref<2x128x128xf32, #tpu.memory_space<vmem>>, vector<1x1x16xf32>,
      %swap3A_363 = vector.shape_cast %swap3A_362 : vector<1x1x16xf32> to vector<16xf32>
      %swap3A_364 = vector.shape_cast %get3A_357 : vector<16xf32> to vector<1x1x16xf32>
      tpu.vector_store %arg7[%swap3A_359, %swap3A_360, %swap3A_361], %swap3A_364 {add = true, strides = array<i32>} : memref<2x128x128xf32, #tpu.memory_space<vmem>>, vector<1x1x16xf32>,
      %add3A_365 = arith.constant 64 : i32
      %add3A_366 = arith.addi %add3A_365, %scan3A_294 : i32
      %swap3A_367 = arith.constant 0 : i32
      %swap3A_368 = arith.index_cast %swap3A_367 : i32 to index
      %swap3A_369 = arith.index_cast %add3A_366 : i32 to index
      %swap3A_370 = arith.constant 48 : index
      %swap3A_371 = tpu.vector_load %arg7[%swap3A_368, %swap3A_369, %swap3A_370] {strides = array<i32>} : memref<2x128x128xf32, #tpu.memory_space<vmem>>, vector<1x1x16xf32>,
      %swap3A_372 = vector.shape_cast %swap3A_371 : vector<1x1x16xf32> to vector<16xf32>
      %swap3A_373 = vector.shape_cast %get3A_357 : vector<16xf32> to vector<1x1x16xf32>
      tpu.vector_store %arg7[%swap3A_368, %swap3A_369, %swap3A_370], %swap3A_373 {add = true, strides = array<i32>} : memref<2x128x128xf32, #tpu.memory_space<vmem>>, vector<1x1x16xf32>,
      %get3A_374 = arith.index_cast %scan3A_294 : i32 to index
      %get3A_375 = arith.constant 64 : index
      %get3A_376 = tpu.vector_load %arg8[%get3A_374, %get3A_375] {strides = array<i32>} : memref<64x128xf32, #tpu.memory_space<vmem>>, vector<1x16xf32>,
      %get3A_377 = vector.shape_cast %get3A_376 : vector<1x16xf32> to vector<16xf32>
      %swap3A_378 = arith.constant 0 : i32
      %swap3A_379 = arith.index_cast %swap3A_378 : i32 to index
      %swap3A_380 = arith.index_cast %scan3A_294 : i32 to index
      %swap3A_381 = arith.constant 64 : index
      %swap3A_382 = tpu.vector_load %arg7[%swap3A_379, %swap3A_380, %swap3A_381] {strides = array<i32>} : memref<2x128x128xf32, #tpu.memory_space<vmem>>, vector<1x1x16xf32>,
      %swap3A_383 = vector.shape_cast %swap3A_382 : vector<1x1x16xf32> to vector<16xf32>
      %swap3A_384 = vector.shape_cast %get3A_377 : vector<16xf32> to vector<1x1x16xf32>
      tpu.vector_store %arg7[%swap3A_379, %swap3A_380, %swap3A_381], %swap3A_384 {add = true, strides = array<i32>} : memref<2x128x128xf32, #tpu.memory_space<vmem>>, vector<1x1x16xf32>,
      %add3A_385 = arith.constant 64 : i32
      %add3A_386 = arith.addi %add3A_385, %scan3A_294 : i32
      %swap3A_387 = arith.constant 0 : i32
      %swap3A_388 = arith.index_cast %swap3A_387 : i32 to index
      %swap3A_389 = arith.index_cast %add3A_386 : i32 to index
      %swap3A_390 = arith.constant 64 : index
      %swap3A_391 = tpu.vector_load %arg7[%swap3A_388, %swap3A_389, %swap3A_390] {strides = array<i32>} : memref<2x128x128xf32, #tpu.memory_space<vmem>>, vector<1x1x16xf32>,
      %swap3A_392 = vector.shape_cast %swap3A_391 : vector<1x1x16xf32> to vector<16xf32>
      %swap3A_393 = vector.shape_cast %get3A_377 : vector<16xf32> to vector<1x1x16xf32>
      tpu.vector_store %arg7[%swap3A_388, %swap3A_389, %swap3A_390], %swap3A_393 {add = true, strides = array<i32>} : memref<2x128x128xf32, #tpu.memory_space<vmem>>, vector<1x1x16xf32>,
      %get3A_394 = arith.index_cast %scan3A_294 : i32 to index
      %get3A_395 = arith.constant 80 : index
      %get3A_396 = tpu.vector_load %arg8[%get3A_394, %get3A_395] {strides = array<i32>} : memref<64x128xf32, #tpu.memory_space<vmem>>, vector<1x16xf32>,
      %get3A_397 = vector.shape_cast %get3A_396 : vector<1x16xf32> to vector<16xf32>
      %swap3A_398 = arith.constant 0 : i32
      %swap3A_399 = arith.index_cast %swap3A_398 : i32 to index
      %swap3A_400 = arith.index_cast %scan3A_294 : i32 to index
      %swap3A_401 = arith.constant 80 : index
      %swap3A_402 = tpu.vector_load %arg7[%swap3A_399, %swap3A_400, %swap3A_401] {strides = array<i32>} : memref<2x128x128xf32, #tpu.memory_space<vmem>>, vector<1x1x16xf32>,
      %swap3A_403 = vector.shape_cast %swap3A_402 : vector<1x1x16xf32> to vector<16xf32>
      %swap3A_404 = vector.shape_cast %get3A_397 : vector<16xf32> to vector<1x1x16xf32>
      tpu.vector_store %arg7[%swap3A_399, %swap3A_400, %swap3A_401], %swap3A_404 {add = true, strides = array<i32>} : memref<2x128x128xf32, #tpu.memory_space<vmem>>, vector<1x1x16xf32>,
      %add3A_405 = arith.constant 64 : i32
      %add3A_406 = arith.addi %add3A_405, %scan3A_294 : i32
      %swap3A_407 = arith.constant 0 : i32
      %swap3A_408 = arith.index_cast %swap3A_407 : i32 to index
      %swap3A_409 = arith.index_cast %add3A_406 : i32 to index
      %swap3A_410 = arith.constant 80 : index
      %swap3A_411 = tpu.vector_load %arg7[%swap3A_408, %swap3A_409, %swap3A_410] {strides = array<i32>} : memref<2x128x128xf32, #tpu.memory_space<vmem>>, vector<1x1x16xf32>,
      %swap3A_412 = vector.shape_cast %swap3A_411 : vector<1x1x16xf32> to vector<16xf32>
      %swap3A_413 = vector.shape_cast %get3A_397 : vector<16xf32> to vector<1x1x16xf32>
      tpu.vector_store %arg7[%swap3A_408, %swap3A_409, %swap3A_410], %swap3A_413 {add = true, strides = array<i32>} : memref<2x128x128xf32, #tpu.memory_space<vmem>>, vector<1x1x16xf32>,
      %get3A_414 = arith.index_cast %scan3A_294 : i32 to index
      %get3A_415 = arith.constant 96 : index
      %get3A_416 = tpu.vector_load %arg8[%get3A_414, %get3A_415] {strides = array<i32>} : memref<64x128xf32, #tpu.memory_space<vmem>>, vector<1x16xf32>,
      %get3A_417 = vector.shape_cast %get3A_416 : vector<1x16xf32> to vector<16xf32>
      %swap3A_418 = arith.constant 0 : i32
      %swap3A_419 = arith.index_cast %swap3A_418 : i32 to index
      %swap3A_420 = arith.index_cast %scan3A_294 : i32 to index
      %swap3A_421 = arith.constant 96 : index
      %swap3A_422 = tpu.vector_load %arg7[%swap3A_419, %swap3A_420, %swap3A_421] {strides = array<i32>} : memref<2x128x128xf32, #tpu.memory_space<vmem>>, vector<1x1x16xf32>,
      %swap3A_423 = vector.shape_cast %swap3A_422 : vector<1x1x16xf32> to vector<16xf32>
      %swap3A_424 = vector.shape_cast %get3A_417 : vector<16xf32> to vector<1x1x16xf32>
      tpu.vector_store %arg7[%swap3A_419, %swap3A_420, %swap3A_421], %swap3A_424 {add = true, strides = array<i32>} : memref<2x128x128xf32, #tpu.memory_space<vmem>>, vector<1x1x16xf32>,
      %add3A_425 = arith.constant 64 : i32
      %add3A_426 = arith.addi %add3A_425, %scan3A_294 : i32
      %swap3A_427 = arith.constant 0 : i32
      %swap3A_428 = arith.index_cast %swap3A_427 : i32 to index
      %swap3A_429 = arith.index_cast %add3A_426 : i32 to index
      %swap3A_430 = arith.constant 96 : index
      %swap3A_431 = tpu.vector_load %arg7[%swap3A_428, %swap3A_429, %swap3A_430] {strides = array<i32>} : memref<2x128x128xf32, #tpu.memory_space<vmem>>, vector<1x1x16xf32>,
      %swap3A_432 = vector.shape_cast %swap3A_431 : vector<1x1x16xf32> to vector<16xf32>
      %swap3A_433 = vector.shape_cast %get3A_417 : vector<16xf32> to vector<1x1x16xf32>
      tpu.vector_store %arg7[%swap3A_428, %swap3A_429, %swap3A_430], %swap3A_433 {add = true, strides = array<i32>} : memref<2x128x128xf32, #tpu.memory_space<vmem>>, vector<1x1x16xf32>,
      %get3A_434 = arith.index_cast %scan3A_294 : i32 to index
      %get3A_435 = arith.constant 112 : index
      %get3A_436 = tpu.vector_load %arg8[%get3A_434, %get3A_435] {strides = array<i32>} : memref<64x128xf32, #tpu.memory_space<vmem>>, vector<1x16xf32>,
      %get3A_437 = vector.shape_cast %get3A_436 : vector<1x16xf32> to vector<16xf32>
      %swap3A_438 = arith.constant 0 : i32
      %swap3A_439 = arith.index_cast %swap3A_438 : i32 to index
      %swap3A_440 = arith.index_cast %scan3A_294 : i32 to index
      %swap3A_441 = arith.constant 112 : index
      %swap3A_442 = tpu.vector_load %arg7[%swap3A_439, %swap3A_440, %swap3A_441] {strides = array<i32>} : memref<2x128x128xf32, #tpu.memory_space<vmem>>, vector<1x1x16xf32>,
      %swap3A_443 = vector.shape_cast %swap3A_442 : vector<1x1x16xf32> to vector<16xf32>
      %swap3A_444 = vector.shape_cast %get3A_437 : vector<16xf32> to vector<1x1x16xf32>
      tpu.vector_store %arg7[%swap3A_439, %swap3A_440, %swap3A_441], %swap3A_444 {add = true, strides = array<i32>} : memref<2x128x128xf32, #tpu.memory_space<vmem>>, vector<1x1x16xf32>,
      %add3A_445 = arith.constant 64 : i32
      %add3A_446 = arith.addi %add3A_445, %scan3A_294 : i32
      %swap3A_447 = arith.constant 0 : i32
      %swap3A_448 = arith.index_cast %swap3A_447 : i32 to index
      %swap3A_449 = arith.index_cast %add3A_446 : i32 to index
      %swap3A_450 = arith.constant 112 : index
      %swap3A_451 = tpu.vector_load %arg7[%swap3A_448, %swap3A_449, %swap3A_450] {strides = array<i32>} : memref<2x128x128xf32, #tpu.memory_space<vmem>>, vector<1x1x16xf32>,
      %swap3A_452 = vector.shape_cast %swap3A_451 : vector<1x1x16xf32> to vector<16xf32>
      %swap3A_453 = vector.shape_cast %get3A_437 : vector<16xf32> to vector<1x1x16xf32>
      tpu.vector_store %arg7[%swap3A_448, %swap3A_449, %swap3A_450], %swap3A_453 {add = true, strides = array<i32>} : memref<2x128x128xf32, #tpu.memory_space<vmem>>, vector<1x1x16xf32>,
      %scan3A_454 = arith.constant 0 : i32
      scf.yield %scan3A_454 : i32
    }
    %scan3A_146 = arith.constant 64 : i32
    %dma_start3A_147 = arith.constant 0 : i32
    %dma_start3A_148 = arith.constant 0 : i32
    %dma_start3A_149 = arith.constant 0 : i32
    %dma_start3A_150 = arith.constant 0 : i32
    %dma_start3A_151 = tpu.memref_slice %arg7[%dma_start3A_147, %dma_start3A_149, %dma_start3A_150] : memref<2x128x128xf32, #tpu.memory_space<vmem>> -> memref<1x64x128xf32, #tpu.memory_space<vmem>>
    %dma_start3A_152 = tpu.memref_squeeze %dma_start3A_151 : memref<1x64x128xf32, #tpu.memory_space<vmem>> -> memref<64x128xf32, #tpu.memory_space<vmem>>
    %dma_start3A_153 = arith.constant 0 : i32
    %dma_start3A_154 = tpu.memref_slice %arg5[%dma_start3A_148, %mul3A_2, %dma_start3A_153] : memref<4x2048x128xf32, #tpu.memory_space<hbm>> -> memref<1x64x128xf32, #tpu.memory_space<hbm>>
    %dma_start3A_155 = tpu.memref_squeeze %dma_start3A_154 : memref<1x64x128xf32, #tpu.memory_space<hbm>> -> memref<64x128xf32, #tpu.memory_space<hbm>>
    %dma_start3A_156 = arith.constant 0 : i32
    %dma_start3A_157 = tpu.memref_slice %arg5[%dma_start3A_148, %mul3A_2, %dma_start3A_156] : memref<4x2048x128xf32, #tpu.memory_space<hbm>> -> memref<1x64x128xf32, #tpu.memory_space<hbm>>
    %dma_start3A_158 = tpu.memref_squeeze %dma_start3A_157 : memref<1x64x128xf32, #tpu.memory_space<hbm>> -> memref<64x128xf32, #tpu.memory_space<hbm>>
    %dma_start3A_159 = arith.constant 0 : i32
    %dma_start3A_160 = arith.constant 0 : i32
    %dma_start3A_161 = tpu.memref_slice %arg7[%dma_start3A_147, %dma_start3A_159, %dma_start3A_160] : memref<2x128x128xf32, #tpu.memory_space<vmem>> -> memref<1x64x128xf32, #tpu.memory_space<vmem>>
    %dma_start3A_162 = tpu.memref_squeeze %dma_start3A_161 : memref<1x64x128xf32, #tpu.memory_space<vmem>> -> memref<64x128xf32, #tpu.memory_space<vmem>>
    tpu.enqueue_dma source(%dma_start3A_162 : memref<64x128xf32, #tpu.memory_space<vmem>>) target(%dma_start3A_158 : memref<64x128xf32, #tpu.memory_space<hbm>>) target_semaphore(%arg11 : memref<!tpu.dma_semaphore, #tpu.memory_space<semaphore_mem>>)
    %dma_start3A_163 = arith.constant 0 : i32
    %dma_start3A_164 = arith.constant 1 : i32
    %dma_start3A_165 = arith.constant 64 : i32
    %dma_start3A_166 = arith.constant 0 : i32
    %dma_start3A_167 = tpu.memref_slice %arg7[%dma_start3A_163, %dma_start3A_165, %dma_start3A_166] : memref<2x128x128xf32, #tpu.memory_space<vmem>> -> memref<1x64x128xf32, #tpu.memory_space<vmem>>
    %dma_start3A_168 = tpu.memref_squeeze %dma_start3A_167 : memref<1x64x128xf32, #tpu.memory_space<vmem>> -> memref<64x128xf32, #tpu.memory_space<vmem>>
    %dma_start3A_169 = arith.constant 0 : i32
    %dma_start3A_170 = tpu.memref_slice %arg5[%dma_start3A_164, %mul3A_2, %dma_start3A_169] : memref<4x2048x128xf32, #tpu.memory_space<hbm>> -> memref<1x64x128xf32, #tpu.memory_space<hbm>>
    %dma_start3A_171 = tpu.memref_squeeze %dma_start3A_170 : memref<1x64x128xf32, #tpu.memory_space<hbm>> -> memref<64x128xf32, #tpu.memory_space<hbm>>
    %dma_start3A_172 = arith.constant 0 : i32
    %dma_start3A_173 = tpu.memref_slice %arg5[%dma_start3A_164, %mul3A_2, %dma_start3A_172] : memref<4x2048x128xf32, #tpu.memory_space<hbm>> -> memref<1x64x128xf32, #tpu.memory_space<hbm>>
    %dma_start3A_174 = tpu.memref_squeeze %dma_start3A_173 : memref<1x64x128xf32, #tpu.memory_space<hbm>> -> memref<64x128xf32, #tpu.memory_space<hbm>>
    %dma_start3A_175 = arith.constant 64 : i32
    %dma_start3A_176 = arith.constant 0 : i32
    %dma_start3A_177 = tpu.memref_slice %arg7[%dma_start3A_163, %dma_start3A_175, %dma_start3A_176] : memref<2x128x128xf32, #tpu.memory_space<vmem>> -> memref<1x64x128xf32, #tpu.memory_space<vmem>>
    %dma_start3A_178 = tpu.memref_squeeze %dma_start3A_177 : memref<1x64x128xf32, #tpu.memory_space<vmem>> -> memref<64x128xf32, #tpu.memory_space<vmem>>
    tpu.enqueue_dma source(%dma_start3A_178 : memref<64x128xf32, #tpu.memory_space<vmem>>) target(%dma_start3A_174 : memref<64x128xf32, #tpu.memory_space<hbm>>) target_semaphore(%arg11 : memref<!tpu.dma_semaphore, #tpu.memory_space<semaphore_mem>>)
    %dma_wait3A_179 = arith.constant 1 : i32
    %dma_wait3A_180 = arith.constant 1 : i32
    %dma_wait3A_181 = arith.constant 0 : i32
    %dma_wait3A_182 = arith.constant 0 : i32
    %dma_wait3A_183 = tpu.memref_slice %arg7[%dma_wait3A_180, %dma_wait3A_181, %dma_wait3A_182] : memref<2x128x128xf32, #tpu.memory_space<vmem>> -> memref<1x128x128xf32, #tpu.memory_space<vmem>>
    %dma_wait3A_184 = tpu.memref_squeeze %dma_wait3A_183 : memref<1x128x128xf32, #tpu.memory_space<vmem>> -> memref<128x128xf32, #tpu.memory_space<vmem>>
    %dma_wait3A_185 = arith.constant 0 : i32
    %dma_wait3A_186 = tpu.memref_slice %arg6[%dma_wait3A_179, %dma_wait3A_185] : memref<2x128xi32, #tpu.memory_space<vmem>> -> memref<1x128xi32, #tpu.memory_space<vmem>>
    %dma_wait3A_187 = tpu.memref_squeeze %dma_wait3A_186 : memref<1x128xi32, #tpu.memory_space<vmem>> -> memref<128xi32, #tpu.memory_space<vmem>>
    %dma_wait3A_188 = arith.constant 0 : i32
    %dma_wait3A_189 = arith.constant 0 : i32
    %dma_wait3A_190 = tpu.memref_slice %arg3[%dma_wait3A_188, %dma_wait3A_189] : memref<1000000x128xf32, #tpu.memory_space<hbm>> -> memref<1000000x128xf32, #tpu.memory_space<hbm>>
    tpu.wait_indirect_dma semaphore(%arg10 : memref<!tpu.dma_semaphore, #tpu.memory_space<semaphore_mem>>) src(%dma_wait3A_190 : memref<1000000x128xf32, #tpu.memory_space<hbm>>) dst(%dma_wait3A_184 : memref<128x128xf32, #tpu.memory_space<vmem>>)
    %scan3A_191 = arith.constant 0 : i32
    %scan3A_192 = arith.constant 0 : i32
    %scan3A_193 = arith.constant 64 : i32
    %scan3A_194 = arith.addi %scan3A_192, %scan3A_193 : i32
    %scan3A_195 = arith.constant 1 : i32
    %scan3A_196 = scf.for %scan3A_294 = %scan3A_192 to %scan3A_194 step %scan3A_195 iter_args(%scan3A_295 = %scan3A_191) -> (i32)  : i32 {
      %get3A = arith.index_cast %scan3A_294 : i32 to index
      %get3A_296 = arith.constant 0 : index
      %get3A_297 = tpu.vector_load %arg8[%get3A, %get3A_296] {strides = array<i32>} : memref<64x128xf32, #tpu.memory_space<vmem>>, vector<1x16xf32>,
      %get3A_298 = vector.shape_cast %get3A_297 : vector<1x16xf32> to vector<16xf32>
      %swap3A = arith.constant 1 : i32
      %swap3A_299 = arith.index_cast %swap3A : i32 to index
      %swap3A_300 = arith.index_cast %scan3A_294 : i32 to index
      %swap3A_301 = arith.constant 0 : index
      %swap3A_302 = tpu.vector_load %arg7[%swap3A_299, %swap3A_300, %swap3A_301] {strides = array<i32>} : memref<2x128x128xf32, #tpu.memory_space<vmem>>, vector<1x1x16xf32>,
      %swap3A_303 = vector.shape_cast %swap3A_302 : vector<1x1x16xf32> to vector<16xf32>
      %swap3A_304 = vector.shape_cast %get3A_298 : vector<16xf32> to vector<1x1x16xf32>
      tpu.vector_store %arg7[%swap3A_299, %swap3A_300, %swap3A_301], %swap3A_304 {add = true, strides = array<i32>} : memref<2x128x128xf32, #tpu.memory_space<vmem>>, vector<1x1x16xf32>,
      %add3A_305 = arith.constant 64 : i32
      %add3A_306 = arith.addi %add3A_305, %scan3A_294 : i32
      %swap3A_307 = arith.constant 1 : i32
      %swap3A_308 = arith.index_cast %swap3A_307 : i32 to index
      %swap3A_309 = arith.index_cast %add3A_306 : i32 to index
      %swap3A_310 = arith.constant 0 : index
      %swap3A_311 = tpu.vector_load %arg7[%swap3A_308, %swap3A_309, %swap3A_310] {strides = array<i32>} : memref<2x128x128xf32, #tpu.memory_space<vmem>>, vector<1x1x16xf32>,
      %swap3A_312 = vector.shape_cast %swap3A_311 : vector<1x1x16xf32> to vector<16xf32>
      %swap3A_313 = vector.shape_cast %get3A_298 : vector<16xf32> to vector<1x1x16xf32>
      tpu.vector_store %arg7[%swap3A_308, %swap3A_309, %swap3A_310], %swap3A_313 {add = true, strides = array<i32>} : memref<2x128x128xf32, #tpu.memory_space<vmem>>, vector<1x1x16xf32>,
      %get3A_314 = arith.index_cast %scan3A_294 : i32 to index
      %get3A_315 = arith.constant 16 : index
      %get3A_316 = tpu.vector_load %arg8[%get3A_314, %get3A_315] {strides = array<i32>} : memref<64x128xf32, #tpu.memory_space<vmem>>, vector<1x16xf32>,
      %get3A_317 = vector.shape_cast %get3A_316 : vector<1x16xf32> to vector<16xf32>
      %swap3A_318 = arith.constant 1 : i32
      %swap3A_319 = arith.index_cast %swap3A_318 : i32 to index
      %swap3A_320 = arith.index_cast %scan3A_294 : i32 to index
      %swap3A_321 = arith.constant 16 : index
      %swap3A_322 = tpu.vector_load %arg7[%swap3A_319, %swap3A_320, %swap3A_321] {strides = array<i32>} : memref<2x128x128xf32, #tpu.memory_space<vmem>>, vector<1x1x16xf32>,
      %swap3A_323 = vector.shape_cast %swap3A_322 : vector<1x1x16xf32> to vector<16xf32>
      %swap3A_324 = vector.shape_cast %get3A_317 : vector<16xf32> to vector<1x1x16xf32>
      tpu.vector_store %arg7[%swap3A_319, %swap3A_320, %swap3A_321], %swap3A_324 {add = true, strides = array<i32>} : memref<2x128x128xf32, #tpu.memory_space<vmem>>, vector<1x1x16xf32>,
      %add3A_325 = arith.constant 64 : i32
      %add3A_326 = arith.addi %add3A_325, %scan3A_294 : i32
      %swap3A_327 = arith.constant 1 : i32
      %swap3A_328 = arith.index_cast %swap3A_327 : i32 to index
      %swap3A_329 = arith.index_cast %add3A_326 : i32 to index
      %swap3A_330 = arith.constant 16 : index
      %swap3A_331 = tpu.vector_load %arg7[%swap3A_328, %swap3A_329, %swap3A_330] {strides = array<i32>} : memref<2x128x128xf32, #tpu.memory_space<vmem>>, vector<1x1x16xf32>,
      %swap3A_332 = vector.shape_cast %swap3A_331 : vector<1x1x16xf32> to vector<16xf32>
      %swap3A_333 = vector.shape_cast %get3A_317 : vector<16xf32> to vector<1x1x16xf32>
      tpu.vector_store %arg7[%swap3A_328, %swap3A_329, %swap3A_330], %swap3A_333 {add = true, strides = array<i32>} : memref<2x128x128xf32, #tpu.memory_space<vmem>>, vector<1x1x16xf32>,
      %get3A_334 = arith.index_cast %scan3A_294 : i32 to index
      %get3A_335 = arith.constant 32 : index
      %get3A_336 = tpu.vector_load %arg8[%get3A_334, %get3A_335] {strides = array<i32>} : memref<64x128xf32, #tpu.memory_space<vmem>>, vector<1x16xf32>,
      %get3A_337 = vector.shape_cast %get3A_336 : vector<1x16xf32> to vector<16xf32>
      %swap3A_338 = arith.constant 1 : i32
      %swap3A_339 = arith.index_cast %swap3A_338 : i32 to index
      %swap3A_340 = arith.index_cast %scan3A_294 : i32 to index
      %swap3A_341 = arith.constant 32 : index
      %swap3A_342 = tpu.vector_load %arg7[%swap3A_339, %swap3A_340, %swap3A_341] {strides = array<i32>} : memref<2x128x128xf32, #tpu.memory_space<vmem>>, vector<1x1x16xf32>,
      %swap3A_343 = vector.shape_cast %swap3A_342 : vector<1x1x16xf32> to vector<16xf32>
      %swap3A_344 = vector.shape_cast %get3A_337 : vector<16xf32> to vector<1x1x16xf32>
      tpu.vector_store %arg7[%swap3A_339, %swap3A_340, %swap3A_341], %swap3A_344 {add = true, strides = array<i32>} : memref<2x128x128xf32, #tpu.memory_space<vmem>>, vector<1x1x16xf32>,
      %add3A_345 = arith.constant 64 : i32
      %add3A_346 = arith.addi %add3A_345, %scan3A_294 : i32
      %swap3A_347 = arith.constant 1 : i32
      %swap3A_348 = arith.index_cast %swap3A_347 : i32 to index
      %swap3A_349 = arith.index_cast %add3A_346 : i32 to index
      %swap3A_350 = arith.constant 32 : index
      %swap3A_351 = tpu.vector_load %arg7[%swap3A_348, %swap3A_349, %swap3A_350] {strides = array<i32>} : memref<2x128x128xf32, #tpu.memory_space<vmem>>, vector<1x1x16xf32>,
      %swap3A_352 = vector.shape_cast %swap3A_351 : vector<1x1x16xf32> to vector<16xf32>
      %swap3A_353 = vector.shape_cast %get3A_337 : vector<16xf32> to vector<1x1x16xf32>
      tpu.vector_store %arg7[%swap3A_348, %swap3A_349, %swap3A_350], %swap3A_353 {add = true, strides = array<i32>} : memref<2x128x128xf32, #tpu.memory_space<vmem>>, vector<1x1x16xf32>,
      %get3A_354 = arith.index_cast %scan3A_294 : i32 to index
      %get3A_355 = arith.constant 48 : index
      %get3A_356 = tpu.vector_load %arg8[%get3A_354, %get3A_355] {strides = array<i32>} : memref<64x128xf32, #tpu.memory_space<vmem>>, vector<1x16xf32>,
      %get3A_357 = vector.shape_cast %get3A_356 : vector<1x16xf32> to vector<16xf32>
      %swap3A_358 = arith.constant 1 : i32
      %swap3A_359 = arith.index_cast %swap3A_358 : i32 to index
      %swap3A_360 = arith.index_cast %scan3A_294 : i32 to index
      %swap3A_361 = arith.constant 48 : index
      %swap3A_362 = tpu.vector_load %arg7[%swap3A_359, %swap3A_360, %swap3A_361] {strides = array<i32>} : memref<2x128x128xf32, #tpu.memory_space<vmem>>, vector<1x1x16xf32>,
      %swap3A_363 = vector.shape_cast %swap3A_362 : vector<1x1x16xf32> to vector<16xf32>
      %swap3A_364 = vector.shape_cast %get3A_357 : vector<16xf32> to vector<1x1x16xf32>
      tpu.vector_store %arg7[%swap3A_359, %swap3A_360, %swap3A_361], %swap3A_364 {add = true, strides = array<i32>} : memref<2x128x128xf32, #tpu.memory_space<vmem>>, vector<1x1x16xf32>,
      %add3A_365 = arith.constant 64 : i32
      %add3A_366 = arith.addi %add3A_365, %scan3A_294 : i32
      %swap3A_367 = arith.constant 1 : i32
      %swap3A_368 = arith.index_cast %swap3A_367 : i32 to index
      %swap3A_369 = arith.index_cast %add3A_366 : i32 to index
      %swap3A_370 = arith.constant 48 : index
      %swap3A_371 = tpu.vector_load %arg7[%swap3A_368, %swap3A_369, %swap3A_370] {strides = array<i32>} : memref<2x128x128xf32, #tpu.memory_space<vmem>>, vector<1x1x16xf32>,
      %swap3A_372 = vector.shape_cast %swap3A_371 : vector<1x1x16xf32> to vector<16xf32>
      %swap3A_373 = vector.shape_cast %get3A_357 : vector<16xf32> to vector<1x1x16xf32>
      tpu.vector_store %arg7[%swap3A_368, %swap3A_369, %swap3A_370], %swap3A_373 {add = true, strides = array<i32>} : memref<2x128x128xf32, #tpu.memory_space<vmem>>, vector<1x1x16xf32>,
      %get3A_374 = arith.index_cast %scan3A_294 : i32 to index
      %get3A_375 = arith.constant 64 : index
      %get3A_376 = tpu.vector_load %arg8[%get3A_374, %get3A_375] {strides = array<i32>} : memref<64x128xf32, #tpu.memory_space<vmem>>, vector<1x16xf32>,
      %get3A_377 = vector.shape_cast %get3A_376 : vector<1x16xf32> to vector<16xf32>
      %swap3A_378 = arith.constant 1 : i32
      %swap3A_379 = arith.index_cast %swap3A_378 : i32 to index
      %swap3A_380 = arith.index_cast %scan3A_294 : i32 to index
      %swap3A_381 = arith.constant 64 : index
      %swap3A_382 = tpu.vector_load %arg7[%swap3A_379, %swap3A_380, %swap3A_381] {strides = array<i32>} : memref<2x128x128xf32, #tpu.memory_space<vmem>>, vector<1x1x16xf32>,
      %swap3A_383 = vector.shape_cast %swap3A_382 : vector<1x1x16xf32> to vector<16xf32>
      %swap3A_384 = vector.shape_cast %get3A_377 : vector<16xf32> to vector<1x1x16xf32>
      tpu.vector_store %arg7[%swap3A_379, %swap3A_380, %swap3A_381], %swap3A_384 {add = true, strides = array<i32>} : memref<2x128x128xf32, #tpu.memory_space<vmem>>, vector<1x1x16xf32>,
      %add3A_385 = arith.constant 64 : i32
      %add3A_386 = arith.addi %add3A_385, %scan3A_294 : i32
      %swap3A_387 = arith.constant 1 : i32
      %swap3A_388 = arith.index_cast %swap3A_387 : i32 to index
      %swap3A_389 = arith.index_cast %add3A_386 : i32 to index
      %swap3A_390 = arith.constant 64 : index
      %swap3A_391 = tpu.vector_load %arg7[%swap3A_388, %swap3A_389, %swap3A_390] {strides = array<i32>} : memref<2x128x128xf32, #tpu.memory_space<vmem>>, vector<1x1x16xf32>,
      %swap3A_392 = vector.shape_cast %swap3A_391 : vector<1x1x16xf32> to vector<16xf32>
      %swap3A_393 = vector.shape_cast %get3A_377 : vector<16xf32> to vector<1x1x16xf32>
      tpu.vector_store %arg7[%swap3A_388, %swap3A_389, %swap3A_390], %swap3A_393 {add = true, strides = array<i32>} : memref<2x128x128xf32, #tpu.memory_space<vmem>>, vector<1x1x16xf32>,
      %get3A_394 = arith.index_cast %scan3A_294 : i32 to index
      %get3A_395 = arith.constant 80 : index
      %get3A_396 = tpu.vector_load %arg8[%get3A_394, %get3A_395] {strides = array<i32>} : memref<64x128xf32, #tpu.memory_space<vmem>>, vector<1x16xf32>,
      %get3A_397 = vector.shape_cast %get3A_396 : vector<1x16xf32> to vector<16xf32>
      %swap3A_398 = arith.constant 1 : i32
      %swap3A_399 = arith.index_cast %swap3A_398 : i32 to index
      %swap3A_400 = arith.index_cast %scan3A_294 : i32 to index
      %swap3A_401 = arith.constant 80 : index
      %swap3A_402 = tpu.vector_load %arg7[%swap3A_399, %swap3A_400, %swap3A_401] {strides = array<i32>} : memref<2x128x128xf32, #tpu.memory_space<vmem>>, vector<1x1x16xf32>,
      %swap3A_403 = vector.shape_cast %swap3A_402 : vector<1x1x16xf32> to vector<16xf32>
      %swap3A_404 = vector.shape_cast %get3A_397 : vector<16xf32> to vector<1x1x16xf32>
      tpu.vector_store %arg7[%swap3A_399, %swap3A_400, %swap3A_401], %swap3A_404 {add = true, strides = array<i32>} : memref<2x128x128xf32, #tpu.memory_space<vmem>>, vector<1x1x16xf32>,
      %add3A_405 = arith.constant 64 : i32
      %add3A_406 = arith.addi %add3A_405, %scan3A_294 : i32
      %swap3A_407 = arith.constant 1 : i32
      %swap3A_408 = arith.index_cast %swap3A_407 : i32 to index
      %swap3A_409 = arith.index_cast %add3A_406 : i32 to index
      %swap3A_410 = arith.constant 80 : index
      %swap3A_411 = tpu.vector_load %arg7[%swap3A_408, %swap3A_409, %swap3A_410] {strides = array<i32>} : memref<2x128x128xf32, #tpu.memory_space<vmem>>, vector<1x1x16xf32>,
      %swap3A_412 = vector.shape_cast %swap3A_411 : vector<1x1x16xf32> to vector<16xf32>
      %swap3A_413 = vector.shape_cast %get3A_397 : vector<16xf32> to vector<1x1x16xf32>
      tpu.vector_store %arg7[%swap3A_408, %swap3A_409, %swap3A_410], %swap3A_413 {add = true, strides = array<i32>} : memref<2x128x128xf32, #tpu.memory_space<vmem>>, vector<1x1x16xf32>,
      %get3A_414 = arith.index_cast %scan3A_294 : i32 to index
      %get3A_415 = arith.constant 96 : index
      %get3A_416 = tpu.vector_load %arg8[%get3A_414, %get3A_415] {strides = array<i32>} : memref<64x128xf32, #tpu.memory_space<vmem>>, vector<1x16xf32>,
      %get3A_417 = vector.shape_cast %get3A_416 : vector<1x16xf32> to vector<16xf32>
      %swap3A_418 = arith.constant 1 : i32
      %swap3A_419 = arith.index_cast %swap3A_418 : i32 to index
      %swap3A_420 = arith.index_cast %scan3A_294 : i32 to index
      %swap3A_421 = arith.constant 96 : index
      %swap3A_422 = tpu.vector_load %arg7[%swap3A_419, %swap3A_420, %swap3A_421] {strides = array<i32>} : memref<2x128x128xf32, #tpu.memory_space<vmem>>, vector<1x1x16xf32>,
      %swap3A_423 = vector.shape_cast %swap3A_422 : vector<1x1x16xf32> to vector<16xf32>
      %swap3A_424 = vector.shape_cast %get3A_417 : vector<16xf32> to vector<1x1x16xf32>
      tpu.vector_store %arg7[%swap3A_419, %swap3A_420, %swap3A_421], %swap3A_424 {add = true, strides = array<i32>} : memref<2x128x128xf32, #tpu.memory_space<vmem>>, vector<1x1x16xf32>,
      %add3A_425 = arith.constant 64 : i32
      %add3A_426 = arith.addi %add3A_425, %scan3A_294 : i32
      %swap3A_427 = arith.constant 1 : i32
      %swap3A_428 = arith.index_cast %swap3A_427 : i32 to index
      %swap3A_429 = arith.index_cast %add3A_426 : i32 to index
      %swap3A_430 = arith.constant 96 : index
      %swap3A_431 = tpu.vector_load %arg7[%swap3A_428, %swap3A_429, %swap3A_430] {strides = array<i32>} : memref<2x128x128xf32, #tpu.memory_space<vmem>>, vector<1x1x16xf32>,
      %swap3A_432 = vector.shape_cast %swap3A_431 : vector<1x1x16xf32> to vector<16xf32>
      %swap3A_433 = vector.shape_cast %get3A_417 : vector<16xf32> to vector<1x1x16xf32>
      tpu.vector_store %arg7[%swap3A_428, %swap3A_429, %swap3A_430], %swap3A_433 {add = true, strides = array<i32>} : memref<2x128x128xf32, #tpu.memory_space<vmem>>, vector<1x1x16xf32>,
      %get3A_434 = arith.index_cast %scan3A_294 : i32 to index
      %get3A_435 = arith.constant 112 : index
      %get3A_436 = tpu.vector_load %arg8[%get3A_434, %get3A_435] {strides = array<i32>} : memref<64x128xf32, #tpu.memory_space<vmem>>, vector<1x16xf32>,
      %get3A_437 = vector.shape_cast %get3A_436 : vector<1x16xf32> to vector<16xf32>
      %swap3A_438 = arith.constant 1 : i32
      %swap3A_439 = arith.index_cast %swap3A_438 : i32 to index
      %swap3A_440 = arith.index_cast %scan3A_294 : i32 to index
      %swap3A_441 = arith.constant 112 : index
      %swap3A_442 = tpu.vector_load %arg7[%swap3A_439, %swap3A_440, %swap3A_441] {strides = array<i32>} : memref<2x128x128xf32, #tpu.memory_space<vmem>>, vector<1x1x16xf32>,
      %swap3A_443 = vector.shape_cast %swap3A_442 : vector<1x1x16xf32> to vector<16xf32>
      %swap3A_444 = vector.shape_cast %get3A_437 : vector<16xf32> to vector<1x1x16xf32>
      tpu.vector_store %arg7[%swap3A_439, %swap3A_440, %swap3A_441], %swap3A_444 {add = true, strides = array<i32>} : memref<2x128x128xf32, #tpu.memory_space<vmem>>, vector<1x1x16xf32>,
      %add3A_445 = arith.constant 64 : i32
      %add3A_446 = arith.addi %add3A_445, %scan3A_294 : i32
      %swap3A_447 = arith.constant 1 : i32
      %swap3A_448 = arith.index_cast %swap3A_447 : i32 to index
      %swap3A_449 = arith.index_cast %add3A_446 : i32 to index
      %swap3A_450 = arith.constant 112 : index
      %swap3A_451 = tpu.vector_load %arg7[%swap3A_448, %swap3A_449, %swap3A_450] {strides = array<i32>} : memref<2x128x128xf32, #tpu.memory_space<vmem>>, vector<1x1x16xf32>,
      %swap3A_452 = vector.shape_cast %swap3A_451 : vector<1x1x16xf32> to vector<16xf32>
      %swap3A_453 = vector.shape_cast %get3A_437 : vector<16xf32> to vector<1x1x16xf32>
      tpu.vector_store %arg7[%swap3A_448, %swap3A_449, %swap3A_450], %swap3A_453 {add = true, strides = array<i32>} : memref<2x128x128xf32, #tpu.memory_space<vmem>>, vector<1x1x16xf32>,
      %scan3A_454 = arith.constant 0 : i32
      scf.yield %scan3A_454 : i32
    }
    %scan3A_197 = arith.constant 64 : i32
    %dma_start3A_198 = arith.constant 1 : i32
    %dma_start3A_199 = arith.constant 2 : i32
    %dma_start3A_200 = arith.constant 0 : i32
    %dma_start3A_201 = arith.constant 0 : i32
    %dma_start3A_202 = tpu.memref_slice %arg7[%dma_start3A_198, %dma_start3A_200, %dma_start3A_201] : memref<2x128x128xf32, #tpu.memory_space<vmem>> -> memref<1x64x128xf32, #tpu.memory_space<vmem>>
    %dma_start3A_203 = tpu.memref_squeeze %dma_start3A_202 : memref<1x64x128xf32, #tpu.memory_space<vmem>> -> memref<64x128xf32, #tpu.memory_space<vmem>>
    %dma_start3A_204 = arith.constant 0 : i32
    %dma_start3A_205 = tpu.memref_slice %arg5[%dma_start3A_199, %mul3A_2, %dma_start3A_204] : memref<4x2048x128xf32, #tpu.memory_space<hbm>> -> memref<1x64x128xf32, #tpu.memory_space<hbm>>
    %dma_start3A_206 = tpu.memref_squeeze %dma_start3A_205 : memref<1x64x128xf32, #tpu.memory_space<hbm>> -> memref<64x128xf32, #tpu.memory_space<hbm>>
    %dma_start3A_207 = arith.constant 0 : i32
    %dma_start3A_208 = tpu.memref_slice %arg5[%dma_start3A_199, %mul3A_2, %dma_start3A_207] : memref<4x2048x128xf32, #tpu.memory_space<hbm>> -> memref<1x64x128xf32, #tpu.memory_space<hbm>>
    %dma_start3A_209 = tpu.memref_squeeze %dma_start3A_208 : memref<1x64x128xf32, #tpu.memory_space<hbm>> -> memref<64x128xf32, #tpu.memory_space<hbm>>
    %dma_start3A_210 = arith.constant 0 : i32
    %dma_start3A_211 = arith.constant 0 : i32
    %dma_start3A_212 = tpu.memref_slice %arg7[%dma_start3A_198, %dma_start3A_210, %dma_start3A_211] : memref<2x128x128xf32, #tpu.memory_space<vmem>> -> memref<1x64x128xf32, #tpu.memory_space<vmem>>
    %dma_start3A_213 = tpu.memref_squeeze %dma_start3A_212 : memref<1x64x128xf32, #tpu.memory_space<vmem>> -> memref<64x128xf32, #tpu.memory_space<vmem>>
    tpu.enqueue_dma source(%dma_start3A_213 : memref<64x128xf32, #tpu.memory_space<vmem>>) target(%dma_start3A_209 : memref<64x128xf32, #tpu.memory_space<hbm>>) target_semaphore(%arg11 : memref<!tpu.dma_semaphore, #tpu.memory_space<semaphore_mem>>)
    %dma_start3A_214 = arith.constant 1 : i32
    %dma_start3A_215 = arith.constant 3 : i32
    %dma_start3A_216 = arith.constant 64 : i32
    %dma_start3A_217 = arith.constant 0 : i32
    %dma_start3A_218 = tpu.memref_slice %arg7[%dma_start3A_214, %dma_start3A_216, %dma_start3A_217] : memref<2x128x128xf32, #tpu.memory_space<vmem>> -> memref<1x64x128xf32, #tpu.memory_space<vmem>>
    %dma_start3A_219 = tpu.memref_squeeze %dma_start3A_218 : memref<1x64x128xf32, #tpu.memory_space<vmem>> -> memref<64x128xf32, #tpu.memory_space<vmem>>
    %dma_start3A_220 = arith.constant 0 : i32
    %dma_start3A_221 = tpu.memref_slice %arg5[%dma_start3A_215, %mul3A_2, %dma_start3A_220] : memref<4x2048x128xf32, #tpu.memory_space<hbm>> -> memref<1x64x128xf32, #tpu.memory_space<hbm>>
    %dma_start3A_222 = tpu.memref_squeeze %dma_start3A_221 : memref<1x64x128xf32, #tpu.memory_space<hbm>> -> memref<64x128xf32, #tpu.memory_space<hbm>>
    %dma_start3A_223 = arith.constant 0 : i32
    %dma_start3A_224 = tpu.memref_slice %arg5[%dma_start3A_215, %mul3A_2, %dma_start3A_223] : memref<4x2048x128xf32, #tpu.memory_space<hbm>> -> memref<1x64x128xf32, #tpu.memory_space<hbm>>
    %dma_start3A_225 = tpu.memref_squeeze %dma_start3A_224 : memref<1x64x128xf32, #tpu.memory_space<hbm>> -> memref<64x128xf32, #tpu.memory_space<hbm>>
    %dma_start3A_226 = arith.constant 64 : i32
    %dma_start3A_227 = arith.constant 0 : i32
    %dma_start3A_228 = tpu.memref_slice %arg7[%dma_start3A_214, %dma_start3A_226, %dma_start3A_227] : memref<2x128x128xf32, #tpu.memory_space<vmem>> -> memref<1x64x128xf32, #tpu.memory_space<vmem>>
    %dma_start3A_229 = tpu.memref_squeeze %dma_start3A_228 : memref<1x64x128xf32, #tpu.memory_space<vmem>> -> memref<64x128xf32, #tpu.memory_space<vmem>>
    tpu.enqueue_dma source(%dma_start3A_229 : memref<64x128xf32, #tpu.memory_space<vmem>>) target(%dma_start3A_225 : memref<64x128xf32, #tpu.memory_space<hbm>>) target_semaphore(%arg11 : memref<!tpu.dma_semaphore, #tpu.memory_space<semaphore_mem>>)
    %dma_wait3A_230 = arith.constant 0 : i32
    %dma_wait3A_231 = arith.constant 0 : i32
    %dma_wait3A_232 = arith.constant 0 : i32
    %dma_wait3A_233 = arith.constant 0 : i32
    %dma_wait3A_234 = tpu.memref_slice %arg7[%dma_wait3A_230, %dma_wait3A_232, %dma_wait3A_233] : memref<2x128x128xf32, #tpu.memory_space<vmem>> -> memref<1x64x128xf32, #tpu.memory_space<vmem>>
    %dma_wait3A_235 = tpu.memref_squeeze %dma_wait3A_234 : memref<1x64x128xf32, #tpu.memory_space<vmem>> -> memref<64x128xf32, #tpu.memory_space<vmem>>
    %dma_wait3A_236 = arith.constant 0 : i32
    %dma_wait3A_237 = tpu.memref_slice %arg5[%dma_wait3A_231, %mul3A_2, %dma_wait3A_236] : memref<4x2048x128xf32, #tpu.memory_space<hbm>> -> memref<1x64x128xf32, #tpu.memory_space<hbm>>
    %dma_wait3A_238 = tpu.memref_squeeze %dma_wait3A_237 : memref<1x64x128xf32, #tpu.memory_space<hbm>> -> memref<64x128xf32, #tpu.memory_space<hbm>>
    %dma_wait3A_239 = arith.constant 0 : i32
    %dma_wait3A_240 = tpu.memref_slice %arg5[%dma_wait3A_231, %mul3A_2, %dma_wait3A_239] : memref<4x2048x128xf32, #tpu.memory_space<hbm>> -> memref<1x64x128xf32, #tpu.memory_space<hbm>>
    %dma_wait3A_241 = tpu.memref_squeeze %dma_wait3A_240 : memref<1x64x128xf32, #tpu.memory_space<hbm>> -> memref<64x128xf32, #tpu.memory_space<hbm>>
    %dma_wait3A_242 = arith.constant 0 : i32
    %dma_wait3A_243 = arith.constant 0 : i32
    %dma_wait3A_244 = tpu.memref_slice %arg7[%dma_wait3A_230, %dma_wait3A_242, %dma_wait3A_243] : memref<2x128x128xf32, #tpu.memory_space<vmem>> -> memref<1x64x128xf32, #tpu.memory_space<vmem>>
    %dma_wait3A_245 = tpu.memref_squeeze %dma_wait3A_244 : memref<1x64x128xf32, #tpu.memory_space<vmem>> -> memref<64x128xf32, #tpu.memory_space<vmem>>
    tpu.wait_dma2 semaphore(%arg11 : memref<!tpu.dma_semaphore, #tpu.memory_space<semaphore_mem>>) src(%dma_wait3A_245 : memref<64x128xf32, #tpu.memory_space<vmem>>) dst(%dma_wait3A_241 : memref<64x128xf32, #tpu.memory_space<hbm>>)
    %dma_wait3A_246 = arith.constant 0 : i32
    %dma_wait3A_247 = arith.constant 1 : i32
    %dma_wait3A_248 = arith.constant 64 : i32
    %dma_wait3A_249 = arith.constant 0 : i32
    %dma_wait3A_250 = tpu.memref_slice %arg7[%dma_wait3A_246, %dma_wait3A_248, %dma_wait3A_249] : memref<2x128x128xf32, #tpu.memory_space<vmem>> -> memref<1x64x128xf32, #tpu.memory_space<vmem>>
    %dma_wait3A_251 = tpu.memref_squeeze %dma_wait3A_250 : memref<1x64x128xf32, #tpu.memory_space<vmem>> -> memref<64x128xf32, #tpu.memory_space<vmem>>
    %dma_wait3A_252 = arith.constant 0 : i32
    %dma_wait3A_253 = tpu.memref_slice %arg5[%dma_wait3A_247, %mul3A_2, %dma_wait3A_252] : memref<4x2048x128xf32, #tpu.memory_space<hbm>> -> memref<1x64x128xf32, #tpu.memory_space<hbm>>
    %dma_wait3A_254 = tpu.memref_squeeze %dma_wait3A_253 : memref<1x64x128xf32, #tpu.memory_space<hbm>> -> memref<64x128xf32, #tpu.memory_space<hbm>>
    %dma_wait3A_255 = arith.constant 0 : i32
    %dma_wait3A_256 = tpu.memref_slice %arg5[%dma_wait3A_247, %mul3A_2, %dma_wait3A_255] : memref<4x2048x128xf32, #tpu.memory_space<hbm>> -> memref<1x64x128xf32, #tpu.memory_space<hbm>>
    %dma_wait3A_257 = tpu.memref_squeeze %dma_wait3A_256 : memref<1x64x128xf32, #tpu.memory_space<hbm>> -> memref<64x128xf32, #tpu.memory_space<hbm>>
    %dma_wait3A_258 = arith.constant 64 : i32
    %dma_wait3A_259 = arith.constant 0 : i32
    %dma_wait3A_260 = tpu.memref_slice %arg7[%dma_wait3A_246, %dma_wait3A_258, %dma_wait3A_259] : memref<2x128x128xf32, #tpu.memory_space<vmem>> -> memref<1x64x128xf32, #tpu.memory_space<vmem>>
    %dma_wait3A_261 = tpu.memref_squeeze %dma_wait3A_260 : memref<1x64x128xf32, #tpu.memory_space<vmem>> -> memref<64x128xf32, #tpu.memory_space<vmem>>
    tpu.wait_dma2 semaphore(%arg11 : memref<!tpu.dma_semaphore, #tpu.memory_space<semaphore_mem>>) src(%dma_wait3A_261 : memref<64x128xf32, #tpu.memory_space<vmem>>) dst(%dma_wait3A_257 : memref<64x128xf32, #tpu.memory_space<hbm>>)
    %dma_wait3A_262 = arith.constant 1 : i32
    %dma_wait3A_263 = arith.constant 2 : i32
    %dma_wait3A_264 = arith.constant 0 : i32
    %dma_wait3A_265 = arith.constant 0 : i32
    %dma_wait3A_266 = tpu.memref_slice %arg7[%dma_wait3A_262, %dma_wait3A_264, %dma_wait3A_265] : memref<2x128x128xf32, #tpu.memory_space<vmem>> -> memref<1x64x128xf32, #tpu.memory_space<vmem>>
    %dma_wait3A_267 = tpu.memref_squeeze %dma_wait3A_266 : memref<1x64x128xf32, #tpu.memory_space<vmem>> -> memref<64x128xf32, #tpu.memory_space<vmem>>
    %dma_wait3A_268 = arith.constant 0 : i32
    %dma_wait3A_269 = tpu.memref_slice %arg5[%dma_wait3A_263, %mul3A_2, %dma_wait3A_268] : memref<4x2048x128xf32, #tpu.memory_space<hbm>> -> memref<1x64x128xf32, #tpu.memory_space<hbm>>
    %dma_wait3A_270 = tpu.memref_squeeze %dma_wait3A_269 : memref<1x64x128xf32, #tpu.memory_space<hbm>> -> memref<64x128xf32, #tpu.memory_space<hbm>>
    %dma_wait3A_271 = arith.constant 0 : i32
    %dma_wait3A_272 = tpu.memref_slice %arg5[%dma_wait3A_263, %mul3A_2, %dma_wait3A_271] : memref<4x2048x128xf32, #tpu.memory_space<hbm>> -> memref<1x64x128xf32, #tpu.memory_space<hbm>>
    %dma_wait3A_273 = tpu.memref_squeeze %dma_wait3A_272 : memref<1x64x128xf32, #tpu.memory_space<hbm>> -> memref<64x128xf32, #tpu.memory_space<hbm>>
    %dma_wait3A_274 = arith.constant 0 : i32
    %dma_wait3A_275 = arith.constant 0 : i32
    %dma_wait3A_276 = tpu.memref_slice %arg7[%dma_wait3A_262, %dma_wait3A_274, %dma_wait3A_275] : memref<2x128x128xf32, #tpu.memory_space<vmem>> -> memref<1x64x128xf32, #tpu.memory_space<vmem>>
    %dma_wait3A_277 = tpu.memref_squeeze %dma_wait3A_276 : memref<1x64x128xf32, #tpu.memory_space<vmem>> -> memref<64x128xf32, #tpu.memory_space<vmem>>
    tpu.wait_dma2 semaphore(%arg11 : memref<!tpu.dma_semaphore, #tpu.memory_space<semaphore_mem>>) src(%dma_wait3A_277 : memref<64x128xf32, #tpu.memory_space<vmem>>) dst(%dma_wait3A_273 : memref<64x128xf32, #tpu.memory_space<hbm>>)
    %dma_wait3A_278 = arith.constant 1 : i32
    %dma_wait3A_279 = arith.constant 3 : i32
    %dma_wait3A_280 = arith.constant 64 : i32
    %dma_wait3A_281 = arith.constant 0 : i32
    %dma_wait3A_282 = tpu.memref_slice %arg7[%dma_wait3A_278, %dma_wait3A_280, %dma_wait3A_281] : memref<2x128x128xf32, #tpu.memory_space<vmem>> -> memref<1x64x128xf32, #tpu.memory_space<vmem>>
    %dma_wait3A_283 = tpu.memref_squeeze %dma_wait3A_282 : memref<1x64x128xf32, #tpu.memory_space<vmem>> -> memref<64x128xf32, #tpu.memory_space<vmem>>
    %dma_wait3A_284 = arith.constant 0 : i32
    %dma_wait3A_285 = tpu.memref_slice %arg5[%dma_wait3A_279, %mul3A_2, %dma_wait3A_284] : memref<4x2048x128xf32, #tpu.memory_space<hbm>> -> memref<1x64x128xf32, #tpu.memory_space<hbm>>
    %dma_wait3A_286 = tpu.memref_squeeze %dma_wait3A_285 : memref<1x64x128xf32, #tpu.memory_space<hbm>> -> memref<64x128xf32, #tpu.memory_space<hbm>>
    %dma_wait3A_287 = arith.constant 0 : i32
    %dma_wait3A_288 = tpu.memref_slice %arg5[%dma_wait3A_279, %mul3A_2, %dma_wait3A_287] : memref<4x2048x128xf32, #tpu.memory_space<hbm>> -> memref<1x64x128xf32, #tpu.memory_space<hbm>>
    %dma_wait3A_289 = tpu.memref_squeeze %dma_wait3A_288 : memref<1x64x128xf32, #tpu.memory_space<hbm>> -> memref<64x128xf32, #tpu.memory_space<hbm>>
    %dma_wait3A_290 = arith.constant 64 : i32
    %dma_wait3A_291 = arith.constant 0 : i32
    %dma_wait3A_292 = tpu.memref_slice %arg7[%dma_wait3A_278, %dma_wait3A_290, %dma_wait3A_291] : memref<2x128x128xf32, #tpu.memory_space<vmem>> -> memref<1x64x128xf32, #tpu.memory_space<vmem>>
    %dma_wait3A_293 = tpu.memref_squeeze %dma_wait3A_292 : memref<1x64x128xf32, #tpu.memory_space<vmem>> -> memref<64x128xf32, #tpu.memory_space<vmem>>
    tpu.wait_dma2 semaphore(%arg11 : memref<!tpu.dma_semaphore, #tpu.memory_space<semaphore_mem>>) src(%dma_wait3A_293 : memref<64x128xf32, #tpu.memory_space<vmem>>) dst(%dma_wait3A_289 : memref<64x128xf32, #tpu.memory_space<hbm>>)
    return
  }
}

</mosaic_0001>

<sc_bundles>
// kernel: kernel.3.cloned.1.call-start
scs
__scs_entry_jumppad:
0x0: {  	(pc) =	sbr.rel $0x88, $3  }
0x1: {  	(tag) =	ssettag $0x0;
	lr =	simm.s32 $0x1  }
0x2: {  	[smem:$0x3F9E] =	sst lr;
	_ =	strace $0xD0000000  }
0x3: {  	_ = 	snop  }
0x4: {  	_ = 	snop  }
0x5: {  	_ = 	snop  }
0x6: {  	_ = 	snop  }
0x7: {  	_ = 	snop  }
__scs_overlays_trampoline_lowered:
0x8: {  	[smem:$0x3FAD] =	sst s0  }
0x9: {  	[smem:$0x3FAE] =	sst s1  }
0xa: {  	[smem:$0x3FAF] =	sst s2  }
0xb: {  	[smem:$0x3FB0] =	sst s3  }
0xc: {  	[smem:$0x3FB1] =	sst s4  }
0xd: {  	[smem:$0x3FB2] =	sst s5  }
0xe: {  	[smem:$0x3FB3] =	sst s6  }
0xf: {  	[smem:$0x3FB4] =	sst s7  }
0x10: {  	[smem:$0x3FB5] =	sst s8  }
0x11: {  	[smem:$0x3FB6] =	sst s9;
	s0 =	simm.s32 @!p0 $0x0  }
0x12: {  	s1 =	sld [smem:$0x3F9C];
	s0 =	simm.s32 @p0 $0x1  }
0x13: {  	[smem:$0x3FB7] =	sst s0;
	s0 =	simm.s32 @!p1 $0x0  }
0x14: {  	s2 =	sld [smem:$0x3F9B];
	s0 =	simm.s32 @p1 $0x1  }
0x15: {  	[smem:$0x3FB8] =	sst s0;
	s0 =	simm.s32 @!p2 $0x0  }
0x16: {  	s3 =	sld [smem:$0x3FDB];
	s0 =	simm.s32 @p2 $0x1  }
0x17: {  	s4 =	simm.s32 $0x1BF5;
	[smem:$0x3FBA] =	sst s0  }
0x18: {  	s0 =	sld [smem:$0x3F9D];
	_ =	swait.ge [sflag:s4], $0x0  }
0x19: {  	s7 =	sld [smem:$0x3F9E]  }
0x1a: {  	s8 =	sadd.s32 $0xFFFFE003, lr  }
0x1b: {  	s9 =	sadd.s32 $0xFFFFFEF7, lr;
	s5 =	simm.s32 $0xFFFFFFFF;
	p2 =	slt.u32 s8, $0xFFFFF086  }
0x1c: {  	p1 =	slt.u32 s9, $0xF7A;
	s5 =	simm.s32 @!p2 $0x0  }
0x1d: {  	s5 =	simm.s32 @p1 $0x1;
	p0 =	seq.s32 s7, s2  }
0x1e: {  	s7 =	smul.u32 @!p0 $0xF7A, s2;
	p2 =	seq.s32 @!p0 s5, $0x0  }
0x1f: {  	s9 =	smul.u32 $0xF7A, s1;
	s8 =	simm.s32 @!p0 $0x1BF5;
	p2 =	por !p2, p0  }
0x20: {  	[sflag:s8] =	ssyncset.s32 @!p0 $0xFFFFF086;
	s6 =	sadd.s32 @!p0 s3, s7;
	s7 =	simm.s32 @!p0 $0x108  }
0x21: {  	s3 =	sadd.s32 s3, s9;
	s6 =	sadd.s32 @!p0 $0x88, s6;
	s7 =	simm.s32 @p2 $0x1082  }
0x22: {  	[simem:s7], [sflag:s8] =	dma.local @!p0 [hbm:s6], $0xF7A  }
0x23: {  	s9 =	sor.u32 $0xD0000000, s2;
	s6 =	simm.s32 $0x108;
	_ =	swait.ge @!p0 [sflag:s8], $0x0  }
0x24: {  	s3 =	sadd.s32 $0x88, s3;
	s6 =	simm.s32 @!p1 $0x1082;
	[sflag:s4] =	ssyncset.s32 $0xFFFFF086  }
0x25: {  	[simem:s6], [sflag:s4] =	dma.local [hbm:s3], $0xF7A  }
0x26: {  	[smem:$0x3F9E] =	sst s1;
	(tag) =	ssettag s2;
	_ =	strace s9  }
0x27: {  	s1 =	sld [smem:$0x3FAE]  }
0x28: {  	s2 =	sld [smem:$0x3FAF]  }
0x29: {  	s4 =	sld [smem:$0x3FB1]  }
0x2a: {  	p0 =	seq.s32 s5, $0x0;
	s5 =	sld [smem:$0x3FB2]  }
0x2b: {  	s6 =	sld [smem:$0x3FB3]  }
0x2c: {  	s7 =	sld [smem:$0x3FB4]  }
0x2d: {  	s3 =	simm.s32 $0x108;
	s8 =	sld [smem:$0x3FB5]  }
0x2e: {  	s3 =	simm.s32 @!p0 $0x1082;
	s9 =	sld [smem:$0x3FB6]  }
0x2f: {  	lr =	sadd.s32 s0, s3;
	s0 =	sld [smem:$0x3FAD]  }
0x30: {  	s3 =	sld [smem:$0x3FB0]  }
0x31: {  	[smem:$0x3FB9] =	sst s10  }
0x32: {  	s10 =	sld [smem:$0x3FB7];
	_ =	sdelay $0x3  }
0x33: {  	p0 =	seq.s32 s10, $0x1;
	s10 =	sld [smem:$0x3FB9];
	_ =	sdelay $0x3  }
0x34: {  	[smem:$0x3FB9] =	sst s10  }
0x35: {  	s10 =	sld [smem:$0x3FB8];
	_ =	sdelay $0x3  }
0x36: {  	p1 =	seq.s32 s10, $0x1;
	s10 =	sld [smem:$0x3FB9];
	_ =	sdelay $0x3  }
0x37: {  	[smem:$0x3FB9] =	sst s10  }
0x38: {  	s10 =	sld [smem:$0x3FBA]  }
0x39: {  	_ = 	snop;
	(pc) =	sbr.ind lr, $3  }
0x3a: {  	_ = 	snop  }
0x3b: {  	_ = 	snop  }
0x3c: {  	p2 =	seq.s32 s10, $0x1;
	s10 =	sld [smem:$0x3FB9]  }
0x3d: {  	_ =	shalt  }
0x3e: {  	_ =	shalt  }
0x3f: {  	_ =	shalt  }
0x40: {  	_ =	shalt  }
0x41: {  	_ =	shalt  }
0x42: {  	_ =	shalt  }
0x43: {  	_ =	shalt  }
0x44: {  	_ =	shalt  }
0x45: {  	_ =	shalt  }
0x46: {  	_ =	shalt  }
0x47: {  	_ =	shalt  }
0x48: {  	_ =	shalt  }
0x49: {  	_ =	shalt  }
0x4a: {  	_ =	shalt  }
0x4b: {  	_ =	shalt  }
0x4c: {  	_ =	shalt  }
0x4d: {  	_ =	shalt  }
0x4e: {  	_ =	shalt  }
0x4f: {  	_ =	shalt  }
0x50: {  	_ =	shalt  }
0x51: {  	_ =	shalt  }
0x52: {  	_ =	shalt  }
0x53: {  	_ =	shalt  }
0x54: {  	_ =	shalt  }
0x55: {  	_ =	shalt  }
0x56: {  	_ =	shalt  }
0x57: {  	_ =	shalt  }
0x58: {  	_ =	shalt  }
0x59: {  	_ =	shalt  }
0x5a: {  	_ =	shalt  }
0x5b: {  	_ =	shalt  }
0x5c: {  	_ =	shalt  }
0x5d: {  	_ =	shalt  }
0x5e: {  	_ =	shalt  }
0x5f: {  	_ =	shalt  }
0x60: {  	_ =	shalt  }
0x61: {  	_ =	shalt  }
0x62: {  	_ =	shalt  }
0x63: {  	_ =	shalt  }
0x64: {  	_ =	shalt  }
0x65: {  	_ =	shalt  }
0x66: {  	_ =	shalt  }
0x67: {  	_ =	shalt  }
0x68: {  	_ =	shalt  }
0x69: {  	_ =	shalt  }
0x6a: {  	_ =	shalt  }
0x6b: {  	_ =	shalt  }
0x6c: {  	_ =	shalt  }
0x6d: {  	_ =	shalt  }
0x6e: {  	_ =	shalt  }
0x6f: {  	_ =	shalt  }
0x70: {  	_ =	shalt  }
0x71: {  	_ =	shalt  }
0x72: {  	_ =	shalt  }
0x73: {  	_ =	shalt  }
0x74: {  	_ =	shalt  }
0x75: {  	_ =	shalt  }
0x76: {  	_ =	shalt  }
0x77: {  	_ =	shalt  }
0x78: {  	_ =	shalt  }
0x79: {  	_ =	shalt  }
0x7a: {  	_ =	shalt  }
0x7b: {  	_ =	shalt  }
0x7c: {  	_ =	shalt  }
0x7d: {  	_ =	shalt  }
0x7e: {  	_ =	shalt  }
0x7f: {  	_ =	shalt  }
0x80: {  	_ =	shalt  }
0x81: {  	_ =	shalt  }
0x82: {  	_ =	shalt  }
0x83: {  	_ =	shalt  }
0x84: {  	_ =	shalt  }
0x85: {  	_ =	shalt  }
0x86: {  	_ =	shalt  }
0x87: {  	_ =	shalt  }
.Lfunc_end0:
.L_simem_size_0:
called_computation_lowered:
.L_overlay_start_0:
0x88: {  	s2 =	sld [smem:$0x3FD9]  }
0x89: {  	s3 =	sld [smem:$0x3FFE];
	_ =	sdelay $0x1  }
0x8a: {  	s1 =	srdreg.scid  }
0x8b: {  	s0 =	sand.u32 $0x1, s1  }
0x8c: {  	s18 =	sshll.u32 s0, $0xA;
	s2 =	sadd.s32 s3, s2  }
0x8d: {  	s2 =	sadd.s32 s2, s18  }
0x8e: {  	[smem:$0x3FC5] =	sst s2  }
0x8f: {  	_ = 	snop  }
0x90: {  	s2 =	sld [smem:$0x3FC9]  }
0x91: {  	s19 =	sld [smem:$0x3FC8]  }
0x92: {  	s4 =	sld [smem:$0x3FC7]  }
0x93: {  	s5 =	sld [smem:$0x3FD0];
	(tm) =	ssettm $0x1  }
0x94: {  	s6 =	sld [smem:$0x3FFB];
	_ =	sdelay $0x3  }
0x95: {  	_ =	strace s6  }
0x96: {  	s6 =	sld [smem:$0x3FFC];
	_ =	sdelay $0x3  }
0x97: {  	_ =	strace s6  }
0x98: {  	s6 =	sld [smem:$0x3FFD];
	_ =	sdelay $0x3  }
0x99: {  	_ =	strace s6  }
0x9a: {  	_ =	strace $0x8FFFFFFF  }
0x9b: {  	s20 =	sld [smem:$0x3FDB];
	_ =	sdelay $0x1  }
0x9c: {  	s7 =	simm.s32 $_scs_section_size  }
0x9d: {  	s8 =	simm.s32 $_size__tile_overlayer_lowered;
	s9 =	simm.s32 $_tile_overlayer_lowered  }
0x9e: {  	s23 =	simm.s32 $0x1BFF;
	s22 =	sshll.u32 s9, $0x1;
	s6 =	sadd.s32 s7, s20  }
0x9f: {  	s10 =	simm.s32 $0x0;
	s21 =	sshll.u32 s8, $0x1;
	s8 =	sadd.s32 s22, s6  }
0xa0: {  	[timem:s10], [sflag:s23] =	dma.local [hbm:s8], s21  }
0xa1: {  	_ =	swait.ge [sflag:s23], s21  }
0xa2: {  	s7 =	ssub.s32 $0x0, s21;
	[sflag:s23] =	ssyncset.done $0x0  }
0xa3: {  	[sflag:s23] =	ssyncadd.s32 s7;
	_ =	sdelay $0x1  }
0xa4: {  	s24 =	simm.s32 $0x1B8B  }
0xa5: {  	_ =	swait.ge [sflag:s24], $0x1  }
0xa6: {  	[sflag:s24] =	ssyncset.done $0x0  }
0xa7: {  	s25 =	simm.s32 $0x1B8E;
	[sflag:s24] =	ssyncadd.s32 $0xFFFFFFFF  }
0xa8: {  	s26 =	simm.s32 $execute0_lowered;
	[smem:$0x3FD2] =	sst s25  }
0xa9: {  	s7 =	sshll.u32 s26, $0x1;
	_ =	strace $0x80000046;
	[dreg:$0x1] =	wrdreg $0xFFFFFFFF  }
0xaa: {  	s28 =	simm.s32 $_size_execute0_lowered;
	s6 =	sadd.s32 s6, s7;
	[dreg:$0x0] =	wrdreg $0x0  }
0xab: {  	s7 =	sshll.u32 s28, $0x1;
	[dreg:$0x2] =	wrdreg s6  }
0xac: {  	[dreg:$0x3] =	wrdreg s7  }
0xad: {  	[dreg:$0x4] =	wrdreg $0xC0  }
0xae: {  	_ =	task [dreg:s10], $0x5FFFF  }
0xaf: {  	[dreg:$0x1] =	wrdreg $0xFFFFFFFF  }
0xb0: {  	[dreg:$0x0] =	wrdreg $0x60  }
0xb1: {  	[dreg:$0x2] =	wrdreg s2  }
0xb2: {  	[dreg:$0x3] =	wrdreg s19  }
0xb3: {  	[dreg:$0x4] =	wrdreg s4  }
0xb4: {  	[dreg:$0x5] =	wrdreg s5  }
0xb5: {  	[dreg:$0x6] =	wrdreg $0x9  }
0xb6: {  	_ =	task.clear_ibuf [dreg:s10], $0x7FFFF;
	_ =	strace $0x90000046  }
0xb7: {  	s29 =	simm.s32 $0x9;
	_ =	strace $0x80000048  }
0xb8: {  	_ =	swait.ge [sflag:s29], $0x1  }
0xb9: {  	[sflag:s29] =	ssyncadd.s32 $0xFFFFFFFF  }
0xba: {  	_ =	strace $0x90000048  }
0xbb: {  	_ =	sfence  }
0xbc: {  	s30 =	sld [smem:$0x0];
	_ =	sdelay $0x2  }
0xbd: {  	s31 =	sshll.u32 s1, $0xD;
	s1 =	sshrl.u32 s1, $0x2  }
0xbe: {  	s3 =	sand.u32 $0x4000, s31;
	s1 =	sadd.s32 s1, s30  }
0xbf: {  	s0 =	sor.u32 s3, s0;
	s1 =	sshll.u32 s1, $0x11  }
0xc0: {  	s0 =	sor.u32 s1, s0  }
0xc1: {  	s0 =	sadd.s32 $0x8F2B, s0  }
0xc2: {  	[sflag:s0] =	ssyncadd.remote.s32 $0x1  }
0xc3: {  	_ =	sfence.sel $0xFFFF  }
0xc4: {  	[dreg:$0x0] =	wrdreg $0xFFFFFFFF;
	(pc) =	sbr.abs _section_cstart, $3  }
0xc5: {  	[dreg:$0x1] =	wrdreg $0xFFFFFFFF  }
0xc6: {  	_ =	task.clear_ibuf [dreg:s10], $0x2FFFF;
	_ =	strace $0x9FFFFFFF  }
0xc7: {  	(tm) =	ssettm $0x7FFFFFFF  }
tec
execute0_lowered:
.L_overlay_start_1:
0x0: {  	(tag) =	ssettag $0x1  }
0x1: {  	s1 =	srdreg.scid;
	s7 =	rddreg [dreg:$0x0]  }
0x2: {  	s0 =	stileid.u32;
	s9 =	rddreg [dreg:$0x2]  }
0x3: {  	s8 =	rddreg [dreg:$0x3];
	s3 =	simm.s32 $0x0;
	s14 =	simm.s32 $0x40  }
0x4: {  	s15 =	simm.s32 $0x80;
	s16 =	simm.s32 $0xC0;
	s17 =	simm.s32 $0x1  }
0x5: {  	s18 =	simm.s32 $0x100;
	s19 =	simm.s32 $0x4100;
	s20 =	simm.s32 $0x8100  }
0x6: {  	s21 =	simm.s32 $0x4;
	s22 =	simm.s32 $0x2;
	s23 =	simm.s32 $0x2100  }
0x7: {  	s24 =	simm.s32 $0x6100;
	s25 =	simm.s32 $0x3;
	s26 =	simm.s32 $0x0  }
0x8: {  	s4 =	sand.u32 $0x1, s1;
	s1 =	rddreg [dreg:$0x1];
	s2 =	sshll.u32 s0, $0x7  }
0x9: {  	[smem:$0x7FF] =	sst s3;
	s5 =	sshll.u32 s4, $0x6;
	s12 =	ssub.s32 $0x2, s4  }
0xa: {  	s6 =	sor.u32 s5, s2;
	s2 =	rddreg [dreg:$0x4];
	s29 =	sshrl.u32 s12, $0x1  }
0xb: {  	_ =	strace $0x80000047;
	s10 =	sshll.u32 s6, $0x2;
	s13 =	ssub.s32 s12, s29  }
0xc: {  	s31 =	sshll.u32 s6, $0x4;
	s11 =	sand.u32 $0x1E00, s10;
	s10 =	sor.u32 s5, s10  }
0xd: {  	s8 =	sadd.s32 s8, s31;
	s9 =	sadd.s32 s9, s31;
	s13 =	smax.u32 s13, $0x1  }
0xe: {  	s11 =	sor.u32 s5, s11;
	s10 =	sshrl.u32 s10, $0x3;
	s12 =	sadd.s32 $0x18000, s8  }
0xf: {  	s28 =	sshrl.u32 s11, $0x3;
	s30 =	sor.u32 $0x20, s10;
	s10 =	sor.u32 $0x30, s10  }
0x10: {  	s11 =	sadd.s32 $0x10000, s8;
	s4 =	sadd.s32 s7, s28;
	s6 =	sadd.s32 s7, s30  }
0x11: {  	s7 =	sadd.s32 s7, s10;
	s10 =	sadd.s32 $0x8000, s8;
	s5 =	sadd.s32 $0x10, s4  }
.LBB2_1:
0x12: {  	[tilespmem:s3], [sflag:$0x1] =	stream.linear.gather [hbm4b:s4+s3], $0x40, $0x38;
	[tilespmem:$0xA100] =	vst v63  }
0x13: {  	_ = 	snop  }
0x14: {  	[tilespmem:s14], [sflag:$0x1] =	stream.linear.gather [hbm4b:s5+s3], $0x40, $0x38;
	[tilespmem:$0xA100] =	vst v63  }
0x15: {  	_ = 	snop  }
0x16: {  	[tilespmem:s15], [sflag:$0x1] =	stream.linear.gather [hbm4b:s6+s3], $0x40, $0x38;
	[tilespmem:$0xA100] =	vst v63  }
0x17: {  	_ = 	snop  }
0x18: {  	[tilespmem:s16], [sflag:$0x1] =	stream.linear.gather [hbm4b:s7+s3], $0x40, $0x38;
	[tilespmem:$0xA100] =	vst v63  }
0x19: {  	_ =	swait.ge [sflag:s17], $0x40  }
0x1a: {  	[sflag:s17] =	ssyncset.done $0x0  }
0x1b: {  	[sflag:s17] =	ssyncadd.s32 $0xFFFFFFC0  }
0x1c: {  	_ =	swait.ge [sflag:s17], $0x40  }
0x1d: {  	[sflag:s17] =	ssyncset.done $0x0  }
0x1e: {  	[sflag:s17] =	ssyncadd.s32 $0xFFFFFFC0  }
0x1f: {  	[tilespmem:s18], [sflag:$0x2] =	stream.indirect.gather [hbm4b:s1+s15], $0x80, s3, s15, $0xb8;
	[tilespmem:$0xA100] =	vst v63  }
0x20: {  	_ =	swait.ge [sflag:s17], $0x40  }
0x21: {  	[sflag:s17] =	ssyncset.done $0x0  }
0x22: {  	[sflag:s17] =	ssyncadd.s32 $0xFFFFFFC0  }
0x23: {  	_ =	swait.ge [sflag:s17], $0x40  }
0x24: {  	[sflag:s17] =	ssyncset.done $0x0  }
0x25: {  	[sflag:s17] =	ssyncadd.s32 $0xFFFFFFC0  }
0x26: {  	[tilespmem:s19], [sflag:$0x2] =	stream.indirect.gather [hbm4b:s1+s15], $0x80, s15, s15, $0xb8;
	[tilespmem:$0xA100] =	vst v63  }
0x27: {  	_ = 	snop  }
0x28: {  	[tilespmem:s20], [sflag:$0x4] =	stream.linear.gather [hbm4b:s9+s3], $0x2000, $0x38;
	[tilespmem:$0xA100] =	vst v63  }
0x29: {  	_ =	swait.ge [sflag:s21], $0x2000  }
0x2a: {  	[sflag:s21] =	ssyncset.done $0x0  }
0x2b: {  	[sflag:s21] =	ssyncadd.s32 $0xFFFFE000  }
0x2c: {  	_ =	swait.ge [sflag:s22], $0x4000  }
0x2d: {  	[sflag:s22] =	ssyncset.done $0x0  }
0x2e: {  	s28 =	simm.s32 $0x0;
	s29 =	simm.s32 $0x200;
	[sflag:s22] =	ssyncadd.s32 $0xFFFFC000  }
.LBB2_2:
0x2f: {  	p0 =	sne.s32 s29, $0x7E00;
	v0 =	vld [tilespmem:s28+$0x8170]  }
0x30: {  	v1 =	vld [tilespmem:s28+$0x8100]  }
0x31: {  	v2 =	vld [tilespmem:s28+$0x8110]  }
0x32: {  	v3 =	vld [tilespmem:s28+$0x8120]  }
0x33: {  	v4 =	vld [tilespmem:s28+$0x8130]  }
0x34: {  	[tilespmem:s28+$0x2170] =	vst.add.f32.msk $0xffff, v0  }
0x35: {  	v5 =	vld [tilespmem:s28+$0x8140]  }
0x36: {  	v6 =	vld [tilespmem:s28+$0x8150]  }
0x37: {  	v7 =	vld [tilespmem:s28+$0x8160]  }
0x38: {  	[tilespmem:s28+$0x100] =	vst.add.f32.msk $0xffff, v1  }
0x39: {  	[tilespmem:s28+$0x2100] =	vst.add.f32.msk $0xffff, v1  }
0x3a: {  	[tilespmem:s28+$0x110] =	vst.add.f32.msk $0xffff, v2  }
0x3b: {  	[tilespmem:s28+$0x2110] =	vst.add.f32.msk $0xffff, v2  }
0x3c: {  	[tilespmem:s28+$0x120] =	vst.add.f32.msk $0xffff, v3  }
0x3d: {  	[tilespmem:s28+$0x2120] =	vst.add.f32.msk $0xffff, v3  }
0x3e: {  	[tilespmem:s28+$0x130] =	vst.add.f32.msk $0xffff, v4  }
0x3f: {  	[tilespmem:s28+$0x2130] =	vst.add.f32.msk $0xffff, v4  }
0x40: {  	[tilespmem:s28+$0x140] =	vst.add.f32.msk $0xffff, v5  }
0x41: {  	[tilespmem:s28+$0x2140] =	vst.add.f32.msk $0xffff, v5  }
.Ltmp0:
0x42: {  	[tilespmem:s28+$0x150] =	vst.add.f32.msk $0xffff, v6;
	(pc) =	sbr.rel @p0 .LBB2_2-.Ltmp0, $4  }
0x43: {  	[tilespmem:s28+$0x2150] =	vst.add.f32.msk $0xffff, v6  }
0x44: {  	[tilespmem:s28+$0x160] =	vst.add.f32.msk $0xffff, v7  }
0x45: {  	[tilespmem:s28+$0x2160] =	vst.add.f32.msk $0xffff, v7  }
0x46: {  	[tilespmem:s28+$0x170] =	vst.add.f32.msk $0xffff, v0;
	s28 =	sshra.s32 s29, $0x2;
	s29 =	sadd.s32 $0x200, s29  }
0x47: {  	v0 =	vld [tilespmem:s28+$0x8170]  }
0x48: {  	v1 =	vld [tilespmem:s28+$0x8100]  }
0x49: {  	v2 =	vld [tilespmem:s28+$0x8110]  }
0x4a: {  	v3 =	vld [tilespmem:s28+$0x8120]  }
0x4b: {  	v4 =	vld [tilespmem:s28+$0x8130]  }
0x4c: {  	v5 =	vld [tilespmem:s28+$0x8140]  }
0x4d: {  	v6 =	vld [tilespmem:s28+$0x8150]  }
0x4e: {  	v7 =	vld [tilespmem:s28+$0x8160]  }
0x4f: {  	[tilespmem:s28+$0x2170] =	vst.add.f32.msk $0xffff, v0  }
0x50: {  	[tilespmem:s28+$0x100] =	vst.add.f32.msk $0xffff, v1  }
0x51: {  	[tilespmem:s28+$0x2100] =	vst.add.f32.msk $0xffff, v1  }
0x52: {  	[tilespmem:s28+$0x110] =	vst.add.f32.msk $0xffff, v2  }
0x53: {  	[tilespmem:s28+$0x2110] =	vst.add.f32.msk $0xffff, v2  }
0x54: {  	[tilespmem:s28+$0x120] =	vst.add.f32.msk $0xffff, v3  }
0x55: {  	[tilespmem:s28+$0x2120] =	vst.add.f32.msk $0xffff, v3  }
0x56: {  	[tilespmem:s28+$0x130] =	vst.add.f32.msk $0xffff, v4  }
0x57: {  	[tilespmem:s28+$0x2130] =	vst.add.f32.msk $0xffff, v4  }
0x58: {  	[tilespmem:s28+$0x140] =	vst.add.f32.msk $0xffff, v5  }
0x59: {  	[tilespmem:s28+$0x2140] =	vst.add.f32.msk $0xffff, v5  }
0x5a: {  	[tilespmem:s28+$0x150] =	vst.add.f32.msk $0xffff, v6  }
0x5b: {  	[tilespmem:s28+$0x2150] =	vst.add.f32.msk $0xffff, v6  }
0x5c: {  	[tilespmem:s28+$0x160] =	vst.add.f32.msk $0xffff, v7  }
0x5d: {  	[tilespmem:s28+$0x2160] =	vst.add.f32.msk $0xffff, v7  }
0x5e: {  	[tilespmem:s28+$0x170] =	vst.add.f32.msk $0xffff, v0;
	s28 =	simm.s32 $0x0  }
0x5f: {  	[hbm4b:s8+s28] =	stream.linear.scatter [tilespmem:s18], [sflag:$0x3], $0x2000, $0x38;
	[tilespmem:$0xA100] =	vst v63  }
0x60: {  	_ = 	snop  }
0x61: {  	[hbm4b:s10+s28] =	stream.linear.scatter [tilespmem:s23], [sflag:$0x3], $0x2000, $0x38;
	[tilespmem:$0xA100] =	vst v63  }
0x62: {  	_ =	swait.ge [sflag:s22], $0x4000  }
0x63: {  	[sflag:s22] =	ssyncset.done $0x0  }
0x64: {  	s29 =	simm.s32 $0x200;
	s28 =	simm.s32 $0x0;
	[sflag:s22] =	ssyncadd.s32 $0xFFFFC000  }
.LBB2_4:
0x65: {  	p0 =	sne.s32 s29, $0x7E00;
	v0 =	vld [tilespmem:s28+$0x8170]  }
0x66: {  	v1 =	vld [tilespmem:s28+$0x8100]  }
0x67: {  	v2 =	vld [tilespmem:s28+$0x8110]  }
0x68: {  	v3 =	vld [tilespmem:s28+$0x8120]  }
0x69: {  	v4 =	vld [tilespmem:s28+$0x8130]  }
0x6a: {  	[tilespmem:s28+$0x6170] =	vst.add.f32.msk $0xffff, v0  }
0x6b: {  	v5 =	vld [tilespmem:s28+$0x8140]  }
0x6c: {  	v6 =	vld [tilespmem:s28+$0x8150]  }
0x6d: {  	v7 =	vld [tilespmem:s28+$0x8160]  }
0x6e: {  	[tilespmem:s28+$0x4100] =	vst.add.f32.msk $0xffff, v1  }
0x6f: {  	[tilespmem:s28+$0x6100] =	vst.add.f32.msk $0xffff, v1  }
0x70: {  	[tilespmem:s28+$0x4110] =	vst.add.f32.msk $0xffff, v2  }
0x71: {  	[tilespmem:s28+$0x6110] =	vst.add.f32.msk $0xffff, v2  }
0x72: {  	[tilespmem:s28+$0x4120] =	vst.add.f32.msk $0xffff, v3  }
0x73: {  	[tilespmem:s28+$0x6120] =	vst.add.f32.msk $0xffff, v3  }
0x74: {  	[tilespmem:s28+$0x4130] =	vst.add.f32.msk $0xffff, v4  }
0x75: {  	[tilespmem:s28+$0x6130] =	vst.add.f32.msk $0xffff, v4  }
0x76: {  	[tilespmem:s28+$0x4140] =	vst.add.f32.msk $0xffff, v5  }
0x77: {  	[tilespmem:s28+$0x6140] =	vst.add.f32.msk $0xffff, v5  }
.Ltmp1:
0x78: {  	[tilespmem:s28+$0x4150] =	vst.add.f32.msk $0xffff, v6;
	(pc) =	sbr.rel @p0 .LBB2_4-.Ltmp1, $4  }
0x79: {  	[tilespmem:s28+$0x6150] =	vst.add.f32.msk $0xffff, v6  }
0x7a: {  	[tilespmem:s28+$0x4160] =	vst.add.f32.msk $0xffff, v7  }
0x7b: {  	[tilespmem:s28+$0x6160] =	vst.add.f32.msk $0xffff, v7  }
0x7c: {  	[tilespmem:s28+$0x4170] =	vst.add.f32.msk $0xffff, v0;
	s28 =	sshra.s32 s29, $0x2;
	s29 =	sadd.s32 $0x200, s29  }
0x7d: {  	v0 =	vld [tilespmem:s28+$0x8170]  }
0x7e: {  	v1 =	vld [tilespmem:s28+$0x8100]  }
0x7f: {  	v2 =	vld [tilespmem:s28+$0x8110]  }
0x80: {  	v3 =	vld [tilespmem:s28+$0x8120]  }
0x81: {  	v4 =	vld [tilespmem:s28+$0x8130]  }
0x82: {  	v5 =	vld [tilespmem:s28+$0x8140]  }
0x83: {  	v6 =	vld [tilespmem:s28+$0x8150]  }
0x84: {  	v7 =	vld [tilespmem:s28+$0x8160]  }
0x85: {  	[tilespmem:s28+$0x6170] =	vst.add.f32.msk $0xffff, v0  }
0x86: {  	[tilespmem:s28+$0x4100] =	vst.add.f32.msk $0xffff, v1  }
0x87: {  	[tilespmem:s28+$0x6100] =	vst.add.f32.msk $0xffff, v1  }
0x88: {  	[tilespmem:s28+$0x4110] =	vst.add.f32.msk $0xffff, v2  }
0x89: {  	[tilespmem:s28+$0x6110] =	vst.add.f32.msk $0xffff, v2  }
0x8a: {  	[tilespmem:s28+$0x4120] =	vst.add.f32.msk $0xffff, v3  }
0x8b: {  	[tilespmem:s28+$0x6120] =	vst.add.f32.msk $0xffff, v3  }
0x8c: {  	[tilespmem:s28+$0x4130] =	vst.add.f32.msk $0xffff, v4  }
0x8d: {  	[tilespmem:s28+$0x6130] =	vst.add.f32.msk $0xffff, v4  }
0x8e: {  	[tilespmem:s28+$0x4140] =	vst.add.f32.msk $0xffff, v5  }
0x8f: {  	[tilespmem:s28+$0x6140] =	vst.add.f32.msk $0xffff, v5  }
0x90: {  	[tilespmem:s28+$0x4150] =	vst.add.f32.msk $0xffff, v6  }
0x91: {  	[tilespmem:s28+$0x6150] =	vst.add.f32.msk $0xffff, v6  }
0x92: {  	[tilespmem:s28+$0x4160] =	vst.add.f32.msk $0xffff, v7  }
0x93: {  	[tilespmem:s28+$0x6160] =	vst.add.f32.msk $0xffff, v7  }
0x94: {  	[tilespmem:s28+$0x4170] =	vst.add.f32.msk $0xffff, v0  }
0x95: {  	[hbm4b:s11+s3] =	stream.linear.scatter [tilespmem:s19], [sflag:$0x3], $0x2000, $0x38;
	[tilespmem:$0xA100] =	vst v63  }
0x96: {  	_ = 	snop  }
0x97: {  	[hbm4b:s12+s3] =	stream.linear.scatter [tilespmem:s24], [sflag:$0x3], $0x2000, $0x38;
	[tilespmem:$0xA100] =	vst v63  }
0x98: {  	_ =	swait.ge [sflag:s25], $0x2000  }
0x99: {  	[sflag:s25] =	ssyncset.done $0x0  }
0x9a: {  	[sflag:s25] =	ssyncadd.s32 $0xFFFFE000  }
0x9b: {  	_ =	swait.ge [sflag:s25], $0x2000  }
0x9c: {  	[sflag:s25] =	ssyncset.done $0x0  }
0x9d: {  	s26 =	sadd.s32 $0x1, s26;
	[sflag:s25] =	ssyncadd.s32 $0xFFFFE000  }
0x9e: {  	p0 =	sne.s32 s26, s13;
	_ =	swait.ge [sflag:s25], $0x2000  }
.Ltmp2:
0x9f: {  	[sflag:s25] =	ssyncset.done $0x0;
	(pc) =	sbr.rel @p0 .LBB2_1-.Ltmp2, $4  }
0xa0: {  	[sflag:s25] =	ssyncadd.s32 $0xFFFFE000  }
0xa1: {  	_ =	swait.ge [sflag:s25], $0x2000  }
0xa2: {  	[sflag:s25] =	ssyncset.done $0x0  }
0xa3: {  	[sflag:s25] =	ssyncadd.s32 $0xFFFFE000  }
0xa4: {  	_ =	sfence.sel $0x180000  }
0xa5: {  	[bflag:$0x0] =	sbarrier.arrive $0xFFFF  }
0xa6: {  	p0 =	sne.s32 s0, $0x0;
	_ =	strace $0x90000047  }
0xa7: {  	s0 =	sadd.s32 @!p0 $0x100000, s2;
	[bflag:$0x2] =	sbarrier.arrive $0xFFFF  }
0xa8: {  	[sflag:s0] =	ssyncadd.tile.s32 @!p0 $0x1;
	_ =	shalt  }
.Lfunc_end2:
_tile_overlayer_lowered:
.L_overlay_start_2:
0xa9: {  	(tag) =	ssettag $0x2  }
0xaa: {  	s0 =	rddreg [dreg:$0x0];
	s2 =	stileid.u32  }
0xab: {  	s1 =	rddreg [dreg:$0x1];
	p0 =	sne.s32 s2, $0x0  }
0xac: {  	s3 =	rddreg [dreg:$0x2];
	[bflag:$0x3] =	sbarrier.arrive $0xFFFF;
	s2 =	simm.s32 @!p0 $0x1C05  }
0xad: {  	[timem:s3], [sflag:s2] =	dma.local @!p0 [hbm:s0], s1  }
0xae: {  	s0 =	simm.s32 @!p0 $0x5  }
0xaf: {  	_ =	swait.ge @!p0 [sflag:s0], s1  }
0xb0: {  	s1 =	ssub.s32 @!p0 $0x0, s1;
	[sflag:s0] =	ssyncset.done @!p0 $0x0  }
0xb1: {  	[sflag:s0] =	ssyncadd.s32 @!p0 s1  }
0xb2: {  	[bflag:$0x3] =	sbarrier.arrive $0xFFFF  }
0xb3: {  	_ =	shalt  }

</sc_bundles>
